<compile_context>
chip_gen: v7x
topology: tpu7x:2x2x1
jax: 0.10.2.dev20260603
libtpu: 0.0.44.dev20260713+nightly
codegen_flags: <defaults>
</compile_context>

<pallas_src>
import jax
import jax.numpy as jnp
from jax import lax
from jax.experimental import pallas as pl
from jax.experimental.pallas import tpu as pltpu
from jax.experimental.pallas import tpu_sc as plsc

N = 10000
E = 320000
D = 128
DE = 16
G = 16

NB = 10
NBN = 5
BN = N // NBN
NP8 = N // 8
EP8 = E // 8

NC = 2
NS = 16
NW = NC * NS
EPT = E // NW
CHUNK = 1000
CP8 = CHUNK // 8
NCHUNK = EPT // CHUNK
NPAD = 10240
RPZ = NPAD // NS

_HI = lax.Precision.HIGHEST


def _dot(a, b):
    return jnp.dot(a, b, precision=_HI)


def _ab_body(xp_ref, ohp_ref, u_ref, wesb_ref, wedb_ref, weu_ref,
             m_ref, ap_ref, bp_ref):
    ue = _dot(u_ref[...], weu_ref[...])
    uer = jnp.concatenate([ue] * 8, axis=0)
    ueb = jnp.concatenate([uer] * 8, axis=1) * m_ref[...]
    ap_ref[...] = _dot(xp_ref[...], wesb_ref[...]) + _dot(ohp_ref[...], ueb)
    bp_ref[...] = _dot(xp_ref[...], wedb_ref[...])


def _pre_ab(xp, ohp, u, wesb, wedb, weu, m):
    return pl.pallas_call(
        _ab_body,
        out_shape=[
            jax.ShapeDtypeStruct((NP8, 128), jnp.float32),
            jax.ShapeDtypeStruct((NP8, 128), jnp.float32),
        ],
    )(xp, ohp, u, wesb, wedb, weu, m)


def _c_body(eap_ref, weab_ref, bet_ref, cp_ref):
    cp_ref[...] = _dot(eap_ref[...], weab_ref[...]) + bet_ref[...]


def _pre_c(eap, weab, bet):
    BEP = EP8 // NB
    return pl.pallas_call(
        _c_body,
        grid=(NB,),
        in_specs=[
            pl.BlockSpec((BEP, 128), lambda i: (i, 0)),
            pl.BlockSpec((128, 128), lambda i: (0, 0)),
            pl.BlockSpec((1, 128), lambda i: (0, 0)),
        ],
        out_specs=pl.BlockSpec((BEP, 128), lambda i: (i, 0)),
        out_shape=jax.ShapeDtypeStruct((EP8, 128), jnp.float32),
    )(eap, weab, bet)


def _sc_body(a_hbm, b_hbm, cp_hbm, src_hbm, dst_hbm, zero_hbm,
             e2_hbm, aggp_hbm,
             sidx0, didx0, arows0, brows0, sem0,
             sidx1, didx1, arows1, brows1, sem1,
             crows, o16, agg_sh):
    c = lax.axis_index("c")
    s = lax.axis_index("s")
    wid = s * NC + c

    pltpu.sync_copy(zero_hbm.at[pl.ds(s * RPZ, RPZ)],
                    agg_sh.at[pl.ds(s * RPZ, RPZ)])
    plsc.subcore_barrier()

    base0 = wid * EPT
    slots = ((sidx0, didx0, arows0, brows0, sem0),
             (sidx1, didx1, arows1, brows1, sem1))

    def fire(cidx, sl):
        sidx_, didx_, ar_, br_, sem_ = sl
        base = base0 + cidx * CHUNK
        pltpu.sync_copy(src_hbm.at[pl.ds(base, CHUNK)], sidx_)
        pltpu.sync_copy(dst_hbm.at[pl.ds(base, CHUNK)], didx_)
        pltpu.async_copy(a_hbm.at[sidx_], ar_, sem_)
        pltpu.async_copy(b_hbm.at[didx_], br_, sem_)

    fire(0, slots[0])
    fire(1, slots[1])

    def body(k, carry):
        for b in (0, 1):
            sl = slots[b]
            sidx_, didx_, ar_, br_, sem_ = sl
            cidx = 2 * k + b
            base = base0 + cidx * CHUNK
            pbase = base // 8
            pltpu.make_async_copy(a_hbm.at[sidx_], ar_, sem_).wait()
            pltpu.make_async_copy(b_hbm.at[didx_], br_, sem_).wait()
            pltpu.sync_copy(cp_hbm.at[pl.ds(pbase, CP8)], crows)

            def row_body(r, cc):
                for j in range(8):
                    i = r * 8 + j
                    v = ar_[i] + br_[i] + crows[r, j * DE:(j + 1) * DE]
                    o16[i] = jnp.maximum(v, 0.0)
                return cc

            lax.fori_loop(0, CP8, row_body, 0)
            pltpu.sync_copy(o16, e2_hbm.at[pl.ds(base, CHUNK)])
            pltpu.sync_copy(o16, agg_sh.at[didx_], add=True)

            @pl.when(cidx + 2 < NCHUNK)
            def _prefetch():
                fire(cidx + 2, sl)
        return carry

    lax.fori_loop(0, NCHUNK // 2, body, 0)
    plsc.subcore_barrier()
    pltpu.sync_copy(agg_sh.at[pl.ds(s * RPZ, RPZ)],
                    aggp_hbm.at[c, pl.ds(s * RPZ, RPZ)])


def _sc_edges(a, b, cp, src, dst, zeros):
    mesh = plsc.VectorSubcoreMesh(core_axis_name="c", subcore_axis_name="s",
                                  num_cores=NC, num_subcores=NS)
    return pl.kernel(
        _sc_body,
        out_type=(
            jax.ShapeDtypeStruct((E, DE), jnp.float32),
            jax.ShapeDtypeStruct((NC, NPAD, DE), jnp.float32),
        ),
        mesh=mesh,
        compiler_params=pltpu.CompilerParams(use_tc_tiling_on_sc=False),
        scratch_types=[
            pltpu.VMEM((CHUNK,), jnp.int32),
            pltpu.VMEM((CHUNK,), jnp.int32),
            pltpu.VMEM((CHUNK, DE), jnp.float32),
            pltpu.VMEM((CHUNK, DE), jnp.float32),
            pltpu.SemaphoreType.DMA,
            pltpu.VMEM((CHUNK,), jnp.int32),
            pltpu.VMEM((CHUNK,), jnp.int32),
            pltpu.VMEM((CHUNK, DE), jnp.float32),
            pltpu.VMEM((CHUNK, DE), jnp.float32),
            pltpu.SemaphoreType.DMA,
            pltpu.VMEM((CP8, 128), jnp.float32),
            pltpu.VMEM((CHUNK, DE), jnp.float32),
            pltpu.VMEM_SHARED((NPAD, DE), jnp.float32),
        ],
    )(a, b, cp, src, dst, zeros)


def _node_body(x_ref, aggp_ref, oh_ref, pos_ref, u_ref, wnx_ref, wnagg_ref,
               wnu_ref, bn_ref, wgx_ref, wgpos_ref, wgu_ref, bg_ref,
               x2_ref, u2_ref, xsum, psum, csum):
    i = pl.program_id(0)

    @pl.when(i == 0)
    def _init():
        xsum[...] = jnp.zeros_like(xsum)
        psum[...] = jnp.zeros_like(psum)
        csum[...] = jnp.zeros_like(csum)

    un = _dot(u_ref[...], wnu_ref[...])
    agg = aggp_ref[0] + aggp_ref[1]
    oh = oh_ref[...]
    x2 = _dot(x_ref[...], wnx_ref[...]) + _dot(agg, wnagg_ref[...]) \
        + _dot(oh, un) + bn_ref[...]
    x2 = jnp.maximum(x2, 0.0)
    x2_ref[...] = x2

    dn = (((0,), (0,)), ((), ()))
    xsum[...] += lax.dot_general(oh, x2, dn, precision=_HI)
    psum[:, :2] += lax.dot_general(oh, pos_ref[...], dn, precision=_HI)
    csum[:, :1] += lax.dot_general(
        oh, jnp.ones((BN, 1), jnp.float32), dn, precision=_HI)

    cnt = jnp.maximum(csum[:, :1], 1.0)
    xmean = xsum[...] / cnt
    pmean = psum[:, :2] / cnt
    u2 = _dot(xmean, wgx_ref[...]) + _dot(pmean, wgpos_ref[...]) \
        + _dot(u_ref[...], wgu_ref[...]) + bg_ref[...]
    u2_ref[...] = jnp.maximum(u2, 0.0)


def _node_global(x, aggp, oh, pos, u, wnx, wnagg, wnu, bn, wgx, wgpos, wgu, bg):
    return pl.pallas_call(
        _node_body,
        grid=(NBN,),
        in_specs=[
            pl.BlockSpec((BN, D), lambda i: (i, 0)),
            pl.BlockSpec((NC, BN, DE), lambda i: (0, i, 0)),
            pl.BlockSpec((BN, G), lambda i: (i, 0)),
            pl.BlockSpec((BN, 2), lambda i: (i, 0)),
            pl.BlockSpec((G, D), lambda i: (0, 0)),
            pl.BlockSpec((D, D), lambda i: (0, 0)),
            pl.BlockSpec((DE, D), lambda i: (0, 0)),
            pl.BlockSpec((D, D), lambda i: (0, 0)),
            pl.BlockSpec((1, D), lambda i: (0, 0)),
            pl.BlockSpec((D, D), lambda i: (0, 0)),
            pl.BlockSpec((2, D), lambda i: (0, 0)),
            pl.BlockSpec((D, D), lambda i: (0, 0)),
            pl.BlockSpec((1, D), lambda i: (0, 0)),
        ],
        out_specs=[
            pl.BlockSpec((BN, D), lambda i: (i, 0)),
            pl.BlockSpec((G, D), lambda i: (0, 0)),
        ],
        out_shape=[
            jax.ShapeDtypeStruct((N, D), jnp.float32),
            jax.ShapeDtypeStruct((G, D), jnp.float32),
        ],
        scratch_shapes=[
            pltpu.VMEM((G, D), jnp.float32),
            pltpu.VMEM((G, 128), jnp.float32),
            pltpu.VMEM((G, 128), jnp.float32),
        ],
    )(x, aggp, oh, pos, u, wnx, wnagg, wnu, bn, wgx, wgpos, wgu, bg)


def _blockdiag8(w):
    return jax.scipy.linalg.block_diag(*([w] * 8))


def kernel(x, edge_index, edge_attr, u, batch, polar_pos,
           W_e, b_e, W_n, b_n, W_g, b_g):
    src = edge_index[0]
    dst = edge_index[1]
    gids = jnp.arange(G, dtype=jnp.int32)
    oh = (batch[:, None] == gids[None, :]).astype(jnp.float32)
    brep = jnp.repeat(batch.reshape(NP8, 8), DE, axis=1)
    ohp = (brep == jnp.tile(gids, 8)[None, :]).astype(jnp.float32)

    wes = W_e[:D]
    wed = W_e[D:2 * D]
    wea = W_e[2 * D:2 * D + DE]
    weu = W_e[2 * D + DE:]

    xp = x.reshape(NP8, 1024)
    eap = edge_attr.reshape(EP8, 128)
    wesb = _blockdiag8(wes)
    wedb = _blockdiag8(wed)
    weab = _blockdiag8(wea)
    bet = jnp.tile(b_e, 8).reshape(1, 128)
    m = _blockdiag8(jnp.ones((DE, DE), jnp.float32))

    ap, bp = _pre_ab(xp, ohp, u, wesb, wedb, weu, m)
    cp = _pre_c(eap, weab, bet)
    a = ap.reshape(N, DE)
    b = bp.reshape(N, DE)

    zeros = jnp.zeros((NPAD, DE), jnp.float32)
    edge_attr2, aggp = _sc_edges(a, b, cp, src, dst, zeros)

    wnx = W_n[:D]
    wnagg = W_n[D:D + DE]
    wnu = W_n[D + DE:]
    wgx = W_g[:D]
    wgpos = W_g[D:D + 2]
    wgu = W_g[D + 2:]

    x2, u2 = _node_global(x, aggp, oh, polar_pos, u, wnx, wnagg, wnu,
                          b_n.reshape(1, D), wgx, wgpos, wgu,
                          b_g.reshape(1, D))
    return (x2, edge_attr2, u2)

# --- scband reference (transcript-rebuilt; emitter-appended) ---
"""Pipeline reference for scband-meta-encoder-45492293599376 (READ-ONLY COPY).

The authoritative reference and input builder live on the scoring server;
editing this copy changes nothing except your own understanding.
"""

import jax, jax.numpy as jnp
import numpy as np

N = 10000
E = 320000
D = 128
DE = 16
G = 16

def setup_inputs(seed: int = 0) -> dict:
    key = jax.random.key(seed)
    ks = jax.random.split(key, 12)
    x = jax.random.normal(ks[0], (N, D), dtype=jnp.float32)
    edge_index = jax.random.randint(ks[1], (2, E), 0, N, dtype=jnp.int32)
    edge_attr = jax.random.normal(ks[2], (E, DE), dtype=jnp.float32)
    u = jax.random.normal(ks[3], (G, D), dtype=jnp.float32)
    batch = jnp.sort(jax.random.randint(ks[4], (N,), 0, G, dtype=jnp.int32))
    polar_pos = jax.random.normal(ks[5], (N, 2), dtype=jnp.float32)
    W_e = jax.random.normal(ks[6], (2 * D + DE + D, DE), dtype=jnp.float32) * 0.05
    b_e = jnp.zeros((DE,), dtype=jnp.float32)
    W_n = jax.random.normal(ks[7], (D + DE + D, D), dtype=jnp.float32) * 0.05
    b_n = jnp.zeros((D,), dtype=jnp.float32)
    W_g = jax.random.normal(ks[8], (D + 2 + D, D), dtype=jnp.float32) * 0.05
    b_g = jnp.zeros((D,), dtype=jnp.float32)
    return {"x": x, "edge_index": edge_index, "edge_attr": edge_attr, "u": u, "batch": batch, "polar_pos": polar_pos, "W_e": W_e, "b_e": b_e, "W_n": W_n, "b_n": b_n, "W_g": W_g, "b_g": b_g}


def reference(x, edge_index, edge_attr, u, batch, polar_pos, W_e, b_e, W_n, b_n, W_g, b_g):
    src = edge_index[0]
    dst = edge_index[1]
    # edge_model(x[src], x[dst], edge_attr, u, batch[src]) -> MLP on concat features
    e_in = jnp.concatenate([x[src], x[dst], edge_attr, u[batch[src]]], axis=-1)
    edge_attr2 = jax.nn.relu(e_in @ W_e + b_e)
    # node_model(x, edge_index, edge_attr, u, batch): scatter-add edge messages to dst nodes
    agg = jax.ops.segment_sum(edge_attr2, dst, num_segments=x.shape[0])
    n_in = jnp.concatenate([x, agg, u[batch]], axis=-1)
    x2 = jax.nn.relu(n_in @ W_n + b_n)
    # global_model(x, u, batch, polar_pos): per-graph mean pooling then MLP
    counts = jax.ops.segment_sum(jnp.ones((x.shape[0],), dtype=jnp.float32), batch, num_segments=u.shape[0])
    counts = jnp.maximum(counts, 1.0)[:, None]
    x_mean = jax.ops.segment_sum(x2, batch, num_segments=u.shape[0]) / counts
    pos_mean = jax.ops.segment_sum(polar_pos, batch, num_segments=u.shape[0]) / counts
    g_in = jnp.concatenate([x_mean, pos_mean, u], axis=-1)
    u2 = jax.nn.relu(g_in @ W_g + b_g)
    return (x2, edge_attr2, u2)

if __name__ == "__main__":
    import jax
    _d = setup_inputs()
    print(jax.jit(kernel)(*tuple(_d.values())))

</pallas_src>

<mosaic_0001>
#map = affine_map<(d0, d1) -> (0, 0)>
#map1 = affine_map<(d0, d1) -> (0)>
#map2 = affine_map<(d0, d1) -> (0, 0, 0)>
module attributes {stable_mosaic.version = 14 : i64} {
  func.func @_sc_body(%arg0: i32, %arg1: i32, %arg2: memref<10000x16xf32, #tpu.memory_space<hbm>>, %arg3: memref<10000x16xf32, #tpu.memory_space<hbm>>, %arg4: memref<40000x128xf32, #tpu.memory_space<hbm>>, %arg5: memref<320000xi32, #tpu.memory_space<hbm>>, %arg6: memref<320000xi32, #tpu.memory_space<hbm>>, %arg7: memref<10240x16xf32, #tpu.memory_space<hbm>>, %arg8: memref<320000x16xf32, #tpu.memory_space<hbm>>, %arg9: memref<2x10240x16xf32, #tpu.memory_space<hbm>>, %arg10: memref<1000xi32, #tpu.memory_space<vmem>>, %arg11: memref<1000xi32, #tpu.memory_space<vmem>>, %arg12: memref<1000x16xf32, #tpu.memory_space<vmem>>, %arg13: memref<1000x16xf32, #tpu.memory_space<vmem>>, %arg14: memref<!tpu.dma_semaphore, #tpu.memory_space<semaphore_mem>>, %arg15: memref<1000xi32, #tpu.memory_space<vmem>>, %arg16: memref<1000xi32, #tpu.memory_space<vmem>>, %arg17: memref<1000x16xf32, #tpu.memory_space<vmem>>, %arg18: memref<1000x16xf32, #tpu.memory_space<vmem>>, %arg19: memref<!tpu.dma_semaphore, #tpu.memory_space<semaphore_mem>>, %arg20: memref<125x128xf32, #tpu.memory_space<vmem>>, %arg21: memref<1000x16xf32, #tpu.memory_space<vmem>>, %arg22: memref<10240x16xf32, #tpu.memory_space<vmem_shared>>) attributes {dimension_semantics = [#tpu.dimension_semantics<core_parallel>, #tpu.dimension_semantics<subcore_parallel>], iteration_bounds = array<i64: 2, 16>, scalar_prefetch = 0 : i64, scratch_operands = 13 : i64, tpu.core_type = #tpu.core_type<sc_vector_subcore>, window_params = [{transform_indices = #map}, {transform_indices = #map}, {transform_indices = #map}, {transform_indices = #map1}, {transform_indices = #map1}, {transform_indices = #map}, {transform_indices = #map}, {transform_indices = #map2}]} {
    %mul3A = arith.constant 2 : i32
    %mul3A_0 = arith.muli %arg1, %mul3A : i32
    %add3A = arith.addi %mul3A_0, %arg0 : i32
    %mul3A_1 = arith.constant 640 : i32
    %mul3A_2 = arith.muli %arg1, %mul3A_1 : i32
    %mul3A_3 = arith.constant 640 : i32
    %mul3A_4 = arith.muli %arg1, %mul3A_3 : i32
    "tpu.region"() ({
      %run_scoped3A = tpu.sem_alloc : memref<!tpu.dma_semaphore, #tpu.memory_space<semaphore_mem>>
      %dma_start3A_32 = arith.constant 0 : i32
      %dma_start3A_33 = tpu.memref_slice %arg22[%mul3A_4, %dma_start3A_32] : memref<10240x16xf32, #tpu.memory_space<vmem_shared>> -> memref<640x16xf32, #tpu.memory_space<vmem_shared>>
      %dma_start3A_34 = arith.constant 0 : i32
      %dma_start3A_35 = tpu.memref_slice %arg7[%mul3A_2, %dma_start3A_34] : memref<10240x16xf32, #tpu.memory_space<hbm>> -> memref<640x16xf32, #tpu.memory_space<hbm>>
      tpu.enqueue_dma source(%dma_start3A_35 : memref<640x16xf32, #tpu.memory_space<hbm>>) target(%dma_start3A_33 : memref<640x16xf32, #tpu.memory_space<vmem_shared>>) target_semaphore(%run_scoped3A : memref<!tpu.dma_semaphore, #tpu.memory_space<semaphore_mem>>)
      %dma_wait3A = arith.constant 0 : i32
      %dma_wait3A_36 = tpu.memref_slice %arg22[%mul3A_4, %dma_wait3A] : memref<10240x16xf32, #tpu.memory_space<vmem_shared>> -> memref<640x16xf32, #tpu.memory_space<vmem_shared>>
      %dma_wait3A_37 = arith.constant 0 : i32
      %dma_wait3A_38 = tpu.memref_slice %arg7[%mul3A_2, %dma_wait3A_37] : memref<10240x16xf32, #tpu.memory_space<hbm>> -> memref<640x16xf32, #tpu.memory_space<hbm>>
      tpu.wait_dma2 semaphore(%run_scoped3A : memref<!tpu.dma_semaphore, #tpu.memory_space<semaphore_mem>>) src(%dma_wait3A_38 : memref<640x16xf32, #tpu.memory_space<hbm>>) dst(%dma_wait3A_36 : memref<640x16xf32, #tpu.memory_space<vmem_shared>>)
      tpu.yield
    }) : () -> ()
    %barrier3A = arith.constant 0 : index
    tpu.barrier barrier_id(%barrier3A)
    %mul3A_5 = arith.constant 10000 : i32
    %mul3A_6 = arith.muli %add3A, %mul3A_5 : i32
    %add3A_7 = arith.constant 0 : i32
    %add3A_8 = arith.addi %mul3A_6, %add3A_7 : i32
    "tpu.region"() ({
      %run_scoped3A = tpu.sem_alloc : memref<!tpu.dma_semaphore, #tpu.memory_space<semaphore_mem>>
      %dma_start3A_32 = tpu.memref_slice %arg5[%add3A_8] : memref<320000xi32, #tpu.memory_space<hbm>> -> memref<1000xi32, #tpu.memory_space<hbm>>
      %dma_start3A_33 = tpu.memref_slice %arg5[%add3A_8] : memref<320000xi32, #tpu.memory_space<hbm>> -> memref<1000xi32, #tpu.memory_space<hbm>>
      tpu.enqueue_dma source(%dma_start3A_33 : memref<1000xi32, #tpu.memory_space<hbm>>) target(%arg10 : memref<1000xi32, #tpu.memory_space<vmem>>) target_semaphore(%run_scoped3A : memref<!tpu.dma_semaphore, #tpu.memory_space<semaphore_mem>>)
      %dma_wait3A = tpu.memref_slice %arg5[%add3A_8] : memref<320000xi32, #tpu.memory_space<hbm>> -> memref<1000xi32, #tpu.memory_space<hbm>>
      %dma_wait3A_34 = tpu.memref_slice %arg5[%add3A_8] : memref<320000xi32, #tpu.memory_space<hbm>> -> memref<1000xi32, #tpu.memory_space<hbm>>
      tpu.wait_dma2 semaphore(%run_scoped3A : memref<!tpu.dma_semaphore, #tpu.memory_space<semaphore_mem>>) src(%dma_wait3A_34 : memref<1000xi32, #tpu.memory_space<hbm>>) dst(%arg10 : memref<1000xi32, #tpu.memory_space<vmem>>)
      tpu.yield
    }) : () -> ()
    "tpu.region"() ({
      %run_scoped3A = tpu.sem_alloc : memref<!tpu.dma_semaphore, #tpu.memory_space<semaphore_mem>>
      %dma_start3A_32 = tpu.memref_slice %arg6[%add3A_8] : memref<320000xi32, #tpu.memory_space<hbm>> -> memref<1000xi32, #tpu.memory_space<hbm>>
      %dma_start3A_33 = tpu.memref_slice %arg6[%add3A_8] : memref<320000xi32, #tpu.memory_space<hbm>> -> memref<1000xi32, #tpu.memory_space<hbm>>
      tpu.enqueue_dma source(%dma_start3A_33 : memref<1000xi32, #tpu.memory_space<hbm>>) target(%arg11 : memref<1000xi32, #tpu.memory_space<vmem>>) target_semaphore(%run_scoped3A : memref<!tpu.dma_semaphore, #tpu.memory_space<semaphore_mem>>)
      %dma_wait3A = tpu.memref_slice %arg6[%add3A_8] : memref<320000xi32, #tpu.memory_space<hbm>> -> memref<1000xi32, #tpu.memory_space<hbm>>
      %dma_wait3A_34 = tpu.memref_slice %arg6[%add3A_8] : memref<320000xi32, #tpu.memory_space<hbm>> -> memref<1000xi32, #tpu.memory_space<hbm>>
      tpu.wait_dma2 semaphore(%run_scoped3A : memref<!tpu.dma_semaphore, #tpu.memory_space<semaphore_mem>>) src(%dma_wait3A_34 : memref<1000xi32, #tpu.memory_space<hbm>>) dst(%arg11 : memref<1000xi32, #tpu.memory_space<vmem>>)
      tpu.yield
    }) : () -> ()
    %dma_start3A = arith.constant 0 : i32
    %dma_start3A_9 = arith.constant 0 : i32
    %dma_start3A_10 = tpu.memref_slice %arg2[%dma_start3A, %dma_start3A_9] : memref<10000x16xf32, #tpu.memory_space<hbm>> -> memref<10000x16xf32, #tpu.memory_space<hbm>>
    tpu.enqueue_indirect_dma source(%dma_start3A_10 : memref<10000x16xf32, #tpu.memory_space<hbm>>) target(%arg12 : memref<1000x16xf32, #tpu.memory_space<vmem>>) offsets(%arg10 : memref<1000xi32, #tpu.memory_space<vmem>>) semaphore(%arg14 : memref<!tpu.dma_semaphore, #tpu.memory_space<semaphore_mem>>)
    %dma_start3A_11 = arith.constant 0 : i32
    %dma_start3A_12 = arith.constant 0 : i32
    %dma_start3A_13 = tpu.memref_slice %arg3[%dma_start3A_11, %dma_start3A_12] : memref<10000x16xf32, #tpu.memory_space<hbm>> -> memref<10000x16xf32, #tpu.memory_space<hbm>>
    tpu.enqueue_indirect_dma source(%dma_start3A_13 : memref<10000x16xf32, #tpu.memory_space<hbm>>) target(%arg13 : memref<1000x16xf32, #tpu.memory_space<vmem>>) offsets(%arg11 : memref<1000xi32, #tpu.memory_space<vmem>>) semaphore(%arg14 : memref<!tpu.dma_semaphore, #tpu.memory_space<semaphore_mem>>)
    %add3A_14 = arith.constant 1000 : i32
    %add3A_15 = arith.addi %mul3A_6, %add3A_14 : i32
    "tpu.region"() ({
      %run_scoped3A = tpu.sem_alloc : memref<!tpu.dma_semaphore, #tpu.memory_space<semaphore_mem>>
      %dma_start3A_32 = tpu.memref_slice %arg5[%add3A_15] : memref<320000xi32, #tpu.memory_space<hbm>> -> memref<1000xi32, #tpu.memory_space<hbm>>
      %dma_start3A_33 = tpu.memref_slice %arg5[%add3A_15] : memref<320000xi32, #tpu.memory_space<hbm>> -> memref<1000xi32, #tpu.memory_space<hbm>>
      tpu.enqueue_dma source(%dma_start3A_33 : memref<1000xi32, #tpu.memory_space<hbm>>) target(%arg15 : memref<1000xi32, #tpu.memory_space<vmem>>) target_semaphore(%run_scoped3A : memref<!tpu.dma_semaphore, #tpu.memory_space<semaphore_mem>>)
      %dma_wait3A = tpu.memref_slice %arg5[%add3A_15] : memref<320000xi32, #tpu.memory_space<hbm>> -> memref<1000xi32, #tpu.memory_space<hbm>>
      %dma_wait3A_34 = tpu.memref_slice %arg5[%add3A_15] : memref<320000xi32, #tpu.memory_space<hbm>> -> memref<1000xi32, #tpu.memory_space<hbm>>
      tpu.wait_dma2 semaphore(%run_scoped3A : memref<!tpu.dma_semaphore, #tpu.memory_space<semaphore_mem>>) src(%dma_wait3A_34 : memref<1000xi32, #tpu.memory_space<hbm>>) dst(%arg15 : memref<1000xi32, #tpu.memory_space<vmem>>)
      tpu.yield
    }) : () -> ()
    "tpu.region"() ({
      %run_scoped3A = tpu.sem_alloc : memref<!tpu.dma_semaphore, #tpu.memory_space<semaphore_mem>>
      %dma_start3A_32 = tpu.memref_slice %arg6[%add3A_15] : memref<320000xi32, #tpu.memory_space<hbm>> -> memref<1000xi32, #tpu.memory_space<hbm>>
      %dma_start3A_33 = tpu.memref_slice %arg6[%add3A_15] : memref<320000xi32, #tpu.memory_space<hbm>> -> memref<1000xi32, #tpu.memory_space<hbm>>
      tpu.enqueue_dma source(%dma_start3A_33 : memref<1000xi32, #tpu.memory_space<hbm>>) target(%arg16 : memref<1000xi32, #tpu.memory_space<vmem>>) target_semaphore(%run_scoped3A : memref<!tpu.dma_semaphore, #tpu.memory_space<semaphore_mem>>)
      %dma_wait3A = tpu.memref_slice %arg6[%add3A_15] : memref<320000xi32, #tpu.memory_space<hbm>> -> memref<1000xi32, #tpu.memory_space<hbm>>
      %dma_wait3A_34 = tpu.memref_slice %arg6[%add3A_15] : memref<320000xi32, #tpu.memory_space<hbm>> -> memref<1000xi32, #tpu.memory_space<hbm>>
      tpu.wait_dma2 semaphore(%run_scoped3A : memref<!tpu.dma_semaphore, #tpu.memory_space<semaphore_mem>>) src(%dma_wait3A_34 : memref<1000xi32, #tpu.memory_space<hbm>>) dst(%arg16 : memref<1000xi32, #tpu.memory_space<vmem>>)
      tpu.yield
    }) : () -> ()
    %dma_start3A_16 = arith.constant 0 : i32
    %dma_start3A_17 = arith.constant 0 : i32
    %dma_start3A_18 = tpu.memref_slice %arg2[%dma_start3A_16, %dma_start3A_17] : memref<10000x16xf32, #tpu.memory_space<hbm>> -> memref<10000x16xf32, #tpu.memory_space<hbm>>
    tpu.enqueue_indirect_dma source(%dma_start3A_18 : memref<10000x16xf32, #tpu.memory_space<hbm>>) target(%arg17 : memref<1000x16xf32, #tpu.memory_space<vmem>>) offsets(%arg15 : memref<1000xi32, #tpu.memory_space<vmem>>) semaphore(%arg19 : memref<!tpu.dma_semaphore, #tpu.memory_space<semaphore_mem>>)
    %dma_start3A_19 = arith.constant 0 : i32
    %dma_start3A_20 = arith.constant 0 : i32
    %dma_start3A_21 = tpu.memref_slice %arg3[%dma_start3A_19, %dma_start3A_20] : memref<10000x16xf32, #tpu.memory_space<hbm>> -> memref<10000x16xf32, #tpu.memory_space<hbm>>
    tpu.enqueue_indirect_dma source(%dma_start3A_21 : memref<10000x16xf32, #tpu.memory_space<hbm>>) target(%arg18 : memref<1000x16xf32, #tpu.memory_space<vmem>>) offsets(%arg16 : memref<1000xi32, #tpu.memory_space<vmem>>) semaphore(%arg19 : memref<!tpu.dma_semaphore, #tpu.memory_space<semaphore_mem>>)
    %scan3A = arith.constant 0 : i32
    %scan3A_22 = arith.constant 0 : i32
    %scan3A_23 = arith.constant 5 : i32
    %scan3A_24 = arith.addi %scan3A_22, %scan3A_23 : i32
    %scan3A_25 = arith.constant 1 : i32
    scf.for %scan3A_32 = %scan3A_22 to %scan3A_24 step %scan3A_25  : i32 {
      %mul3A_33 = arith.constant 2 : i32
      %mul3A_34 = arith.muli %mul3A_33, %scan3A_32 : i32
      %add3A_35 = arith.constant 0 : i32
      %add3A_36 = arith.addi %mul3A_34, %add3A_35 : i32
      %mul3A_37 = arith.constant 1000 : i32
      %mul3A_38 = arith.muli %add3A_36, %mul3A_37 : i32
      %add3A_39 = arith.addi %mul3A_6, %mul3A_38 : i32
      %jit3A = arith.constant 8 : i32
      %div3A = arith.divsi %add3A_39, %jit3A : i32
      %sign3A = arith.constant 0 : i32
      %sign3A_40 = arith.cmpi sgt, %add3A_39, %sign3A : i32
      %sign3A_41 = arith.extui %sign3A_40 : i1 to i32
      %sign3A_42 = arith.constant 0 : i32
      %sign3A_43 = arith.cmpi slt, %add3A_39, %sign3A_42 : i32
      %sign3A_44 = arith.extui %sign3A_43 : i1 to i32
      %sign3A_45 = arith.subi %sign3A_41, %sign3A_44 : i32
      %sign3A_46 = arith.constant 0 : i32
      %sign3A_47 = arith.cmpi sgt, %jit3A, %sign3A_46 : i32
      %sign3A_48 = arith.extui %sign3A_47 : i1 to i32
      %sign3A_49 = arith.constant 0 : i32
      %sign3A_50 = arith.cmpi slt, %jit3A, %sign3A_49 : i32
      %sign3A_51 = arith.extui %sign3A_50 : i1 to i32
      %sign3A_52 = arith.subi %sign3A_48, %sign3A_51 : i32
      %ne3A = arith.cmpi ne, %sign3A_45, %sign3A_52 : i32
      %rem3A = arith.remsi %add3A_39, %jit3A : i32
      %ne3A_53 = arith.constant 0 : i32
      %ne3A_54 = arith.cmpi ne, %rem3A, %ne3A_53 : i32
      %and3A = arith.andi %ne3A, %ne3A_54 : i1
      %sub3A = arith.constant 1 : i32
      %sub3A_55 = arith.subi %div3A, %sub3A : i32
      %select_n3A = arith.select %and3A, %sub3A_55, %div3A : i32
      %dma_wait3A = arith.constant 0 : i32
      %dma_wait3A_56 = arith.constant 0 : i32
      %dma_wait3A_57 = tpu.memref_slice %arg2[%dma_wait3A, %dma_wait3A_56] : memref<10000x16xf32, #tpu.memory_space<hbm>> -> memref<10000x16xf32, #tpu.memory_space<hbm>>
      tpu.wait_indirect_dma semaphore(%arg14 : memref<!tpu.dma_semaphore, #tpu.memory_space<semaphore_mem>>) src(%dma_wait3A_57 : memref<10000x16xf32, #tpu.memory_space<hbm>>) dst(%arg12 : memref<1000x16xf32, #tpu.memory_space<vmem>>)
      %dma_wait3A_58 = arith.constant 0 : i32
      %dma_wait3A_59 = arith.constant 0 : i32
      %dma_wait3A_60 = tpu.memref_slice %arg3[%dma_wait3A_58, %dma_wait3A_59] : memref<10000x16xf32, #tpu.memory_space<hbm>> -> memref<10000x16xf32, #tpu.memory_space<hbm>>
      tpu.wait_indirect_dma semaphore(%arg14 : memref<!tpu.dma_semaphore, #tpu.memory_space<semaphore_mem>>) src(%dma_wait3A_60 : memref<10000x16xf32, #tpu.memory_space<hbm>>) dst(%arg13 : memref<1000x16xf32, #tpu.memory_space<vmem>>)
      "tpu.region"() ({
        %run_scoped3A = tpu.sem_alloc : memref<!tpu.dma_semaphore, #tpu.memory_space<semaphore_mem>>
        %dma_start3A_121 = arith.constant 0 : i32
        %dma_start3A_122 = tpu.memref_slice %arg4[%select_n3A, %dma_start3A_121] : memref<40000x128xf32, #tpu.memory_space<hbm>> -> memref<125x128xf32, #tpu.memory_space<hbm>>
        %dma_start3A_123 = arith.constant 0 : i32
        %dma_start3A_124 = tpu.memref_slice %arg4[%select_n3A, %dma_start3A_123] : memref<40000x128xf32, #tpu.memory_space<hbm>> -> memref<125x128xf32, #tpu.memory_space<hbm>>
        tpu.enqueue_dma source(%dma_start3A_124 : memref<125x128xf32, #tpu.memory_space<hbm>>) target(%arg20 : memref<125x128xf32, #tpu.memory_space<vmem>>) target_semaphore(%run_scoped3A : memref<!tpu.dma_semaphore, #tpu.memory_space<semaphore_mem>>)
        %dma_wait3A_125 = arith.constant 0 : i32
        %dma_wait3A_126 = tpu.memref_slice %arg4[%select_n3A, %dma_wait3A_125] : memref<40000x128xf32, #tpu.memory_space<hbm>> -> memref<125x128xf32, #tpu.memory_space<hbm>>
        %dma_wait3A_127 = arith.constant 0 : i32
        %dma_wait3A_128 = tpu.memref_slice %arg4[%select_n3A, %dma_wait3A_127] : memref<40000x128xf32, #tpu.memory_space<hbm>> -> memref<125x128xf32, #tpu.memory_space<hbm>>
        tpu.wait_dma2 semaphore(%run_scoped3A : memref<!tpu.dma_semaphore, #tpu.memory_space<semaphore_mem>>) src(%dma_wait3A_128 : memref<125x128xf32, #tpu.memory_space<hbm>>) dst(%arg20 : memref<125x128xf32, #tpu.memory_space<vmem>>)
        tpu.yield
      }) : () -> ()
      %scan3A_61 = arith.constant 0 : i32
      %scan3A_62 = arith.constant 0 : i32
      %scan3A_63 = arith.constant 125 : i32
      %scan3A_64 = arith.addi %scan3A_62, %scan3A_63 : i32
      %scan3A_65 = arith.constant 1 : i32
      scf.for %scan3A_121 = %scan3A_62 to %scan3A_64 step %scan3A_65  : i32 {
        %mul3A_122 = arith.constant 8 : i32
        %mul3A_123 = arith.muli %scan3A_121, %mul3A_122 : i32
        %add3A_124 = arith.constant 0 : i32
        %add3A_125 = arith.addi %mul3A_123, %add3A_124 : i32
        %get3A = arith.index_cast %add3A_125 : i32 to index
        %get3A_126 = arith.constant 0 : index
        %get3A_127 = tpu.vector_load %arg12[%get3A, %get3A_126] {strides = array<i32>} : memref<1000x16xf32, #tpu.memory_space<vmem>>, vector<1x16xf32>,
        %get3A_128 = vector.shape_cast %get3A_127 : vector<1x16xf32> to vector<16xf32>
        %get3A_129 = arith.index_cast %add3A_125 : i32 to index
        %get3A_130 = arith.constant 0 : index
        %get3A_131 = tpu.vector_load %arg13[%get3A_129, %get3A_130] {strides = array<i32>} : memref<1000x16xf32, #tpu.memory_space<vmem>>, vector<1x16xf32>,
        %get3A_132 = vector.shape_cast %get3A_131 : vector<1x16xf32> to vector<16xf32>
        %add3A_133 = arith.addf %get3A_128, %get3A_132 : vector<16xf32>
        %get3A_134 = arith.index_cast %scan3A_121 : i32 to index
        %get3A_135 = arith.constant 0 : index
        %get3A_136 = tpu.vector_load %arg20[%get3A_134, %get3A_135] {strides = array<i32>} : memref<125x128xf32, #tpu.memory_space<vmem>>, vector<1x16xf32>,
        %get3A_137 = vector.shape_cast %get3A_136 : vector<1x16xf32> to vector<16xf32>
        %add3A_138 = arith.addf %add3A_133, %get3A_137 : vector<16xf32>
        %max3A = arith.constant 0.000000e+00 : f32
        %max3A_139 = vector.broadcast %max3A : f32 to vector<16xf32>
        %max3A_140 = arith.maximumf %add3A_138, %max3A_139 : vector<16xf32>
        %swap3A = arith.index_cast %add3A_125 : i32 to index
        %swap3A_141 = arith.constant 0 : index
        %swap3A_142 = tpu.vector_load %arg21[%swap3A, %swap3A_141] {strides = array<i32>} : memref<1000x16xf32, #tpu.memory_space<vmem>>, vector<1x16xf32>,
        %swap3A_143 = vector.shape_cast %swap3A_142 : vector<1x16xf32> to vector<16xf32>
        %swap3A_144 = vector.shape_cast %max3A_140 : vector<16xf32> to vector<1x16xf32>
        tpu.vector_store %arg21[%swap3A, %swap3A_141], %swap3A_144 {strides = array<i32>} : memref<1000x16xf32, #tpu.memory_space<vmem>>, vector<1x16xf32>,
        %mul3A_145 = arith.constant 8 : i32
        %mul3A_146 = arith.muli %scan3A_121, %mul3A_145 : i32
        %add3A_147 = arith.constant 1 : i32
        %add3A_148 = arith.addi %mul3A_146, %add3A_147 : i32
        %get3A_149 = arith.index_cast %add3A_148 : i32 to index
        %get3A_150 = arith.constant 0 : index
        %get3A_151 = tpu.vector_load %arg12[%get3A_149, %get3A_150] {strides = array<i32>} : memref<1000x16xf32, #tpu.memory_space<vmem>>, vector<1x16xf32>,
        %get3A_152 = vector.shape_cast %get3A_151 : vector<1x16xf32> to vector<16xf32>
        %get3A_153 = arith.index_cast %add3A_148 : i32 to index
        %get3A_154 = arith.constant 0 : index
        %get3A_155 = tpu.vector_load %arg13[%get3A_153, %get3A_154] {strides = array<i32>} : memref<1000x16xf32, #tpu.memory_space<vmem>>, vector<1x16xf32>,
        %get3A_156 = vector.shape_cast %get3A_155 : vector<1x16xf32> to vector<16xf32>
        %add3A_157 = arith.addf %get3A_152, %get3A_156 : vector<16xf32>
        %get3A_158 = arith.index_cast %scan3A_121 : i32 to index
        %get3A_159 = arith.constant 16 : index
        %get3A_160 = tpu.vector_load %arg20[%get3A_158, %get3A_159] {strides = array<i32>} : memref<125x128xf32, #tpu.memory_space<vmem>>, vector<1x16xf32>,
        %get3A_161 = vector.shape_cast %get3A_160 : vector<1x16xf32> to vector<16xf32>
        %add3A_162 = arith.addf %add3A_157, %get3A_161 : vector<16xf32>
        %max3A_163 = arith.constant 0.000000e+00 : f32
        %max3A_164 = vector.broadcast %max3A_163 : f32 to vector<16xf32>
        %max3A_165 = arith.maximumf %add3A_162, %max3A_164 : vector<16xf32>
        %swap3A_166 = arith.index_cast %add3A_148 : i32 to index
        %swap3A_167 = arith.constant 0 : index
        %swap3A_168 = tpu.vector_load %arg21[%swap3A_166, %swap3A_167] {strides = array<i32>} : memref<1000x16xf32, #tpu.memory_space<vmem>>, vector<1x16xf32>,
        %swap3A_169 = vector.shape_cast %swap3A_168 : vector<1x16xf32> to vector<16xf32>
        %swap3A_170 = vector.shape_cast %max3A_165 : vector<16xf32> to vector<1x16xf32>
        tpu.vector_store %arg21[%swap3A_166, %swap3A_167], %swap3A_170 {strides = array<i32>} : memref<1000x16xf32, #tpu.memory_space<vmem>>, vector<1x16xf32>,
        %mul3A_171 = arith.constant 8 : i32
        %mul3A_172 = arith.muli %scan3A_121, %mul3A_171 : i32
        %add3A_173 = arith.constant 2 : i32
        %add3A_174 = arith.addi %mul3A_172, %add3A_173 : i32
        %get3A_175 = arith.index_cast %add3A_174 : i32 to index
        %get3A_176 = arith.constant 0 : index
        %get3A_177 = tpu.vector_load %arg12[%get3A_175, %get3A_176] {strides = array<i32>} : memref<1000x16xf32, #tpu.memory_space<vmem>>, vector<1x16xf32>,
        %get3A_178 = vector.shape_cast %get3A_177 : vector<1x16xf32> to vector<16xf32>
        %get3A_179 = arith.index_cast %add3A_174 : i32 to index
        %get3A_180 = arith.constant 0 : index
        %get3A_181 = tpu.vector_load %arg13[%get3A_179, %get3A_180] {strides = array<i32>} : memref<1000x16xf32, #tpu.memory_space<vmem>>, vector<1x16xf32>,
        %get3A_182 = vector.shape_cast %get3A_181 : vector<1x16xf32> to vector<16xf32>
        %add3A_183 = arith.addf %get3A_178, %get3A_182 : vector<16xf32>
        %get3A_184 = arith.index_cast %scan3A_121 : i32 to index
        %get3A_185 = arith.constant 32 : index
        %get3A_186 = tpu.vector_load %arg20[%get3A_184, %get3A_185] {strides = array<i32>} : memref<125x128xf32, #tpu.memory_space<vmem>>, vector<1x16xf32>,
        %get3A_187 = vector.shape_cast %get3A_186 : vector<1x16xf32> to vector<16xf32>
        %add3A_188 = arith.addf %add3A_183, %get3A_187 : vector<16xf32>
        %max3A_189 = arith.constant 0.000000e+00 : f32
        %max3A_190 = vector.broadcast %max3A_189 : f32 to vector<16xf32>
        %max3A_191 = arith.maximumf %add3A_188, %max3A_190 : vector<16xf32>
        %swap3A_192 = arith.index_cast %add3A_174 : i32 to index
        %swap3A_193 = arith.constant 0 : index
        %swap3A_194 = tpu.vector_load %arg21[%swap3A_192, %swap3A_193] {strides = array<i32>} : memref<1000x16xf32, #tpu.memory_space<vmem>>, vector<1x16xf32>,
        %swap3A_195 = vector.shape_cast %swap3A_194 : vector<1x16xf32> to vector<16xf32>
        %swap3A_196 = vector.shape_cast %max3A_191 : vector<16xf32> to vector<1x16xf32>
        tpu.vector_store %arg21[%swap3A_192, %swap3A_193], %swap3A_196 {strides = array<i32>} : memref<1000x16xf32, #tpu.memory_space<vmem>>, vector<1x16xf32>,
        %mul3A_197 = arith.constant 8 : i32
        %mul3A_198 = arith.muli %scan3A_121, %mul3A_197 : i32
        %add3A_199 = arith.constant 3 : i32
        %add3A_200 = arith.addi %mul3A_198, %add3A_199 : i32
        %get3A_201 = arith.index_cast %add3A_200 : i32 to index
        %get3A_202 = arith.constant 0 : index
        %get3A_203 = tpu.vector_load %arg12[%get3A_201, %get3A_202] {strides = array<i32>} : memref<1000x16xf32, #tpu.memory_space<vmem>>, vector<1x16xf32>,
        %get3A_204 = vector.shape_cast %get3A_203 : vector<1x16xf32> to vector<16xf32>
        %get3A_205 = arith.index_cast %add3A_200 : i32 to index
        %get3A_206 = arith.constant 0 : index
        %get3A_207 = tpu.vector_load %arg13[%get3A_205, %get3A_206] {strides = array<i32>} : memref<1000x16xf32, #tpu.memory_space<vmem>>, vector<1x16xf32>,
        %get3A_208 = vector.shape_cast %get3A_207 : vector<1x16xf32> to vector<16xf32>
        %add3A_209 = arith.addf %get3A_204, %get3A_208 : vector<16xf32>
        %get3A_210 = arith.index_cast %scan3A_121 : i32 to index
        %get3A_211 = arith.constant 48 : index
        %get3A_212 = tpu.vector_load %arg20[%get3A_210, %get3A_211] {strides = array<i32>} : memref<125x128xf32, #tpu.memory_space<vmem>>, vector<1x16xf32>,
        %get3A_213 = vector.shape_cast %get3A_212 : vector<1x16xf32> to vector<16xf32>
        %add3A_214 = arith.addf %add3A_209, %get3A_213 : vector<16xf32>
        %max3A_215 = arith.constant 0.000000e+00 : f32
        %max3A_216 = vector.broadcast %max3A_215 : f32 to vector<16xf32>
        %max3A_217 = arith.maximumf %add3A_214, %max3A_216 : vector<16xf32>
        %swap3A_218 = arith.index_cast %add3A_200 : i32 to index
        %swap3A_219 = arith.constant 0 : index
        %swap3A_220 = tpu.vector_load %arg21[%swap3A_218, %swap3A_219] {strides = array<i32>} : memref<1000x16xf32, #tpu.memory_space<vmem>>, vector<1x16xf32>,
        %swap3A_221 = vector.shape_cast %swap3A_220 : vector<1x16xf32> to vector<16xf32>
        %swap3A_222 = vector.shape_cast %max3A_217 : vector<16xf32> to vector<1x16xf32>
        tpu.vector_store %arg21[%swap3A_218, %swap3A_219], %swap3A_222 {strides = array<i32>} : memref<1000x16xf32, #tpu.memory_space<vmem>>, vector<1x16xf32>,
        %mul3A_223 = arith.constant 8 : i32
        %mul3A_224 = arith.muli %scan3A_121, %mul3A_223 : i32
        %add3A_225 = arith.constant 4 : i32
        %add3A_226 = arith.addi %mul3A_224, %add3A_225 : i32
        %get3A_227 = arith.index_cast %add3A_226 : i32 to index
        %get3A_228 = arith.constant 0 : index
        %get3A_229 = tpu.vector_load %arg12[%get3A_227, %get3A_228] {strides = array<i32>} : memref<1000x16xf32, #tpu.memory_space<vmem>>, vector<1x16xf32>,
        %get3A_230 = vector.shape_cast %get3A_229 : vector<1x16xf32> to vector<16xf32>
        %get3A_231 = arith.index_cast %add3A_226 : i32 to index
        %get3A_232 = arith.constant 0 : index
        %get3A_233 = tpu.vector_load %arg13[%get3A_231, %get3A_232] {strides = array<i32>} : memref<1000x16xf32, #tpu.memory_space<vmem>>, vector<1x16xf32>,
        %get3A_234 = vector.shape_cast %get3A_233 : vector<1x16xf32> to vector<16xf32>
        %add3A_235 = arith.addf %get3A_230, %get3A_234 : vector<16xf32>
        %get3A_236 = arith.index_cast %scan3A_121 : i32 to index
        %get3A_237 = arith.constant 64 : index
        %get3A_238 = tpu.vector_load %arg20[%get3A_236, %get3A_237] {strides = array<i32>} : memref<125x128xf32, #tpu.memory_space<vmem>>, vector<1x16xf32>,
        %get3A_239 = vector.shape_cast %get3A_238 : vector<1x16xf32> to vector<16xf32>
        %add3A_240 = arith.addf %add3A_235, %get3A_239 : vector<16xf32>
        %max3A_241 = arith.constant 0.000000e+00 : f32
        %max3A_242 = vector.broadcast %max3A_241 : f32 to vector<16xf32>
        %max3A_243 = arith.maximumf %add3A_240, %max3A_242 : vector<16xf32>
        %swap3A_244 = arith.index_cast %add3A_226 : i32 to index
        %swap3A_245 = arith.constant 0 : index
        %swap3A_246 = tpu.vector_load %arg21[%swap3A_244, %swap3A_245] {strides = array<i32>} : memref<1000x16xf32, #tpu.memory_space<vmem>>, vector<1x16xf32>,
        %swap3A_247 = vector.shape_cast %swap3A_246 : vector<1x16xf32> to vector<16xf32>
        %swap3A_248 = vector.shape_cast %max3A_243 : vector<16xf32> to vector<1x16xf32>
        tpu.vector_store %arg21[%swap3A_244, %swap3A_245], %swap3A_248 {strides = array<i32>} : memref<1000x16xf32, #tpu.memory_space<vmem>>, vector<1x16xf32>,
        %mul3A_249 = arith.constant 8 : i32
        %mul3A_250 = arith.muli %scan3A_121, %mul3A_249 : i32
        %add3A_251 = arith.constant 5 : i32
        %add3A_252 = arith.addi %mul3A_250, %add3A_251 : i32
        %get3A_253 = arith.index_cast %add3A_252 : i32 to index
        %get3A_254 = arith.constant 0 : index
        %get3A_255 = tpu.vector_load %arg12[%get3A_253, %get3A_254] {strides = array<i32>} : memref<1000x16xf32, #tpu.memory_space<vmem>>, vector<1x16xf32>,
        %get3A_256 = vector.shape_cast %get3A_255 : vector<1x16xf32> to vector<16xf32>
        %get3A_257 = arith.index_cast %add3A_252 : i32 to index
        %get3A_258 = arith.constant 0 : index
        %get3A_259 = tpu.vector_load %arg13[%get3A_257, %get3A_258] {strides = array<i32>} : memref<1000x16xf32, #tpu.memory_space<vmem>>, vector<1x16xf32>,
        %get3A_260 = vector.shape_cast %get3A_259 : vector<1x16xf32> to vector<16xf32>
        %add3A_261 = arith.addf %get3A_256, %get3A_260 : vector<16xf32>
        %get3A_262 = arith.index_cast %scan3A_121 : i32 to index
        %get3A_263 = arith.constant 80 : index
        %get3A_264 = tpu.vector_load %arg20[%get3A_262, %get3A_263] {strides = array<i32>} : memref<125x128xf32, #tpu.memory_space<vmem>>, vector<1x16xf32>,
        %get3A_265 = vector.shape_cast %get3A_264 : vector<1x16xf32> to vector<16xf32>
        %add3A_266 = arith.addf %add3A_261, %get3A_265 : vector<16xf32>
        %max3A_267 = arith.constant 0.000000e+00 : f32
        %max3A_268 = vector.broadcast %max3A_267 : f32 to vector<16xf32>
        %max3A_269 = arith.maximumf %add3A_266, %max3A_268 : vector<16xf32>
        %swap3A_270 = arith.index_cast %add3A_252 : i32 to index
        %swap3A_271 = arith.constant 0 : index
        %swap3A_272 = tpu.vector_load %arg21[%swap3A_270, %swap3A_271] {strides = array<i32>} : memref<1000x16xf32, #tpu.memory_space<vmem>>, vector<1x16xf32>,
        %swap3A_273 = vector.shape_cast %swap3A_272 : vector<1x16xf32> to vector<16xf32>
        %swap3A_274 = vector.shape_cast %max3A_269 : vector<16xf32> to vector<1x16xf32>
        tpu.vector_store %arg21[%swap3A_270, %swap3A_271], %swap3A_274 {strides = array<i32>} : memref<1000x16xf32, #tpu.memory_space<vmem>>, vector<1x16xf32>,
        %mul3A_275 = arith.constant 8 : i32
        %mul3A_276 = arith.muli %scan3A_121, %mul3A_275 : i32
        %add3A_277 = arith.constant 6 : i32
        %add3A_278 = arith.addi %mul3A_276, %add3A_277 : i32
        %get3A_279 = arith.index_cast %add3A_278 : i32 to index
        %get3A_280 = arith.constant 0 : index
        %get3A_281 = tpu.vector_load %arg12[%get3A_279, %get3A_280] {strides = array<i32>} : memref<1000x16xf32, #tpu.memory_space<vmem>>, vector<1x16xf32>,
        %get3A_282 = vector.shape_cast %get3A_281 : vector<1x16xf32> to vector<16xf32>
        %get3A_283 = arith.index_cast %add3A_278 : i32 to index
        %get3A_284 = arith.constant 0 : index
        %get3A_285 = tpu.vector_load %arg13[%get3A_283, %get3A_284] {strides = array<i32>} : memref<1000x16xf32, #tpu.memory_space<vmem>>, vector<1x16xf32>,
        %get3A_286 = vector.shape_cast %get3A_285 : vector<1x16xf32> to vector<16xf32>
        %add3A_287 = arith.addf %get3A_282, %get3A_286 : vector<16xf32>
        %get3A_288 = arith.index_cast %scan3A_121 : i32 to index
        %get3A_289 = arith.constant 96 : index
        %get3A_290 = tpu.vector_load %arg20[%get3A_288, %get3A_289] {strides = array<i32>} : memref<125x128xf32, #tpu.memory_space<vmem>>, vector<1x16xf32>,
        %get3A_291 = vector.shape_cast %get3A_290 : vector<1x16xf32> to vector<16xf32>
        %add3A_292 = arith.addf %add3A_287, %get3A_291 : vector<16xf32>
        %max3A_293 = arith.constant 0.000000e+00 : f32
        %max3A_294 = vector.broadcast %max3A_293 : f32 to vector<16xf32>
        %max3A_295 = arith.maximumf %add3A_292, %max3A_294 : vector<16xf32>
        %swap3A_296 = arith.index_cast %add3A_278 : i32 to index
        %swap3A_297 = arith.constant 0 : index
        %swap3A_298 = tpu.vector_load %arg21[%swap3A_296, %swap3A_297] {strides = array<i32>} : memref<1000x16xf32, #tpu.memory_space<vmem>>, vector<1x16xf32>,
        %swap3A_299 = vector.shape_cast %swap3A_298 : vector<1x16xf32> to vector<16xf32>
        %swap3A_300 = vector.shape_cast %max3A_295 : vector<16xf32> to vector<1x16xf32>
        tpu.vector_store %arg21[%swap3A_296, %swap3A_297], %swap3A_300 {strides = array<i32>} : memref<1000x16xf32, #tpu.memory_space<vmem>>, vector<1x16xf32>,
        %mul3A_301 = arith.constant 8 : i32
        %mul3A_302 = arith.muli %scan3A_121, %mul3A_301 : i32
        %add3A_303 = arith.constant 7 : i32
        %add3A_304 = arith.addi %mul3A_302, %add3A_303 : i32
        %get3A_305 = arith.index_cast %add3A_304 : i32 to index
        %get3A_306 = arith.constant 0 : index
        %get3A_307 = tpu.vector_load %arg12[%get3A_305, %get3A_306] {strides = array<i32>} : memref<1000x16xf32, #tpu.memory_space<vmem>>, vector<1x16xf32>,
        %get3A_308 = vector.shape_cast %get3A_307 : vector<1x16xf32> to vector<16xf32>
        %get3A_309 = arith.index_cast %add3A_304 : i32 to index
        %get3A_310 = arith.constant 0 : index
        %get3A_311 = tpu.vector_load %arg13[%get3A_309, %get3A_310] {strides = array<i32>} : memref<1000x16xf32, #tpu.memory_space<vmem>>, vector<1x16xf32>,
        %get3A_312 = vector.shape_cast %get3A_311 : vector<1x16xf32> to vector<16xf32>
        %add3A_313 = arith.addf %get3A_308, %get3A_312 : vector<16xf32>
        %get3A_314 = arith.index_cast %scan3A_121 : i32 to index
        %get3A_315 = arith.constant 112 : index
        %get3A_316 = tpu.vector_load %arg20[%get3A_314, %get3A_315] {strides = array<i32>} : memref<125x128xf32, #tpu.memory_space<vmem>>, vector<1x16xf32>,
        %get3A_317 = vector.shape_cast %get3A_316 : vector<1x16xf32> to vector<16xf32>
        %add3A_318 = arith.addf %add3A_313, %get3A_317 : vector<16xf32>
        %max3A_319 = arith.constant 0.000000e+00 : f32
        %max3A_320 = vector.broadcast %max3A_319 : f32 to vector<16xf32>
        %max3A_321 = arith.maximumf %add3A_318, %max3A_320 : vector<16xf32>
        %swap3A_322 = arith.index_cast %add3A_304 : i32 to index
        %swap3A_323 = arith.constant 0 : index
        %swap3A_324 = tpu.vector_load %arg21[%swap3A_322, %swap3A_323] {strides = array<i32>} : memref<1000x16xf32, #tpu.memory_space<vmem>>, vector<1x16xf32>,
        %swap3A_325 = vector.shape_cast %swap3A_324 : vector<1x16xf32> to vector<16xf32>
        %swap3A_326 = vector.shape_cast %max3A_321 : vector<16xf32> to vector<1x16xf32>
        tpu.vector_store %arg21[%swap3A_322, %swap3A_323], %swap3A_326 {strides = array<i32>} : memref<1000x16xf32, #tpu.memory_space<vmem>>, vector<1x16xf32>,
      }
      %scan3A_66 = arith.constant 125 : i32
      "tpu.region"() ({
        %run_scoped3A = tpu.sem_alloc : memref<!tpu.dma_semaphore, #tpu.memory_space<semaphore_mem>>
        %dma_start3A_121 = arith.constant 0 : i32
        %dma_start3A_122 = tpu.memref_slice %arg8[%add3A_39, %dma_start3A_121] : memref<320000x16xf32, #tpu.memory_space<hbm>> -> memref<1000x16xf32, #tpu.memory_space<hbm>>
        %dma_start3A_123 = arith.constant 0 : i32
        %dma_start3A_124 = tpu.memref_slice %arg8[%add3A_39, %dma_start3A_123] : memref<320000x16xf32, #tpu.memory_space<hbm>> -> memref<1000x16xf32, #tpu.memory_space<hbm>>
        tpu.enqueue_dma source(%arg21 : memref<1000x16xf32, #tpu.memory_space<vmem>>) target(%dma_start3A_124 : memref<1000x16xf32, #tpu.memory_space<hbm>>) target_semaphore(%run_scoped3A : memref<!tpu.dma_semaphore, #tpu.memory_space<semaphore_mem>>)
        %dma_wait3A_125 = arith.constant 0 : i32
        %dma_wait3A_126 = tpu.memref_slice %arg8[%add3A_39, %dma_wait3A_125] : memref<320000x16xf32, #tpu.memory_space<hbm>> -> memref<1000x16xf32, #tpu.memory_space<hbm>>
        %dma_wait3A_127 = arith.constant 0 : i32
        %dma_wait3A_128 = tpu.memref_slice %arg8[%add3A_39, %dma_wait3A_127] : memref<320000x16xf32, #tpu.memory_space<hbm>> -> memref<1000x16xf32, #tpu.memory_space<hbm>>
        tpu.wait_dma2 semaphore(%run_scoped3A : memref<!tpu.dma_semaphore, #tpu.memory_space<semaphore_mem>>) src(%arg21 : memref<1000x16xf32, #tpu.memory_space<vmem>>) dst(%dma_wait3A_128 : memref<1000x16xf32, #tpu.memory_space<hbm>>)
        tpu.yield
      }) : () -> ()
      "tpu.region"() ({
        %run_scoped3A = tpu.sem_alloc : memref<!tpu.dma_semaphore, #tpu.memory_space<semaphore_mem>>
        %dma_start3A_121 = arith.constant 0 : i32
        %dma_start3A_122 = arith.constant 0 : i32
        %dma_start3A_123 = tpu.memref_slice %arg22[%dma_start3A_121, %dma_start3A_122] : memref<10240x16xf32, #tpu.memory_space<vmem_shared>> -> memref<10240x16xf32, #tpu.memory_space<vmem_shared>>
        tpu.enqueue_indirect_dma source(%arg21 : memref<1000x16xf32, #tpu.memory_space<vmem>>) target(%dma_start3A_123 : memref<10240x16xf32, #tpu.memory_space<vmem_shared>>) offsets(%arg11 : memref<1000xi32, #tpu.memory_space<vmem>>) semaphore(%run_scoped3A : memref<!tpu.dma_semaphore, #tpu.memory_space<semaphore_mem>>) {add = true}
        %dma_wait3A_124 = arith.constant 0 : i32
        %dma_wait3A_125 = arith.constant 0 : i32
        %dma_wait3A_126 = tpu.memref_slice %arg22[%dma_wait3A_124, %dma_wait3A_125] : memref<10240x16xf32, #tpu.memory_space<vmem_shared>> -> memref<10240x16xf32, #tpu.memory_space<vmem_shared>>
        tpu.wait_indirect_dma semaphore(%run_scoped3A : memref<!tpu.dma_semaphore, #tpu.memory_space<semaphore_mem>>) src(%arg21 : memref<1000x16xf32, #tpu.memory_space<vmem>>) dst(%dma_wait3A_126 : memref<10240x16xf32, #tpu.memory_space<vmem_shared>>)
        tpu.yield
      }) : () -> ()
      %add3A_67 = arith.constant 2 : i32
      %add3A_68 = arith.addi %add3A_36, %add3A_67 : i32
      %lt3A = arith.constant 10 : i32
      %lt3A_69 = arith.cmpi slt, %add3A_68, %lt3A : i32
      %convert_element_type3A = arith.extui %lt3A_69 : i1 to i32
      %cond3A = arith.constant 0 : i32
      %cond3A_70 = arith.cmpi ne, %convert_element_type3A, %cond3A : i32
      scf.if %cond3A_70 {
        %add3A_121 = arith.constant 2 : i32
        %add3A_122 = arith.addi %add3A_36, %add3A_121 : i32
        %mul3A_123 = arith.constant 1000 : i32
        %mul3A_124 = arith.muli %add3A_122, %mul3A_123 : i32
        %add3A_125 = arith.addi %mul3A_6, %mul3A_124 : i32
        "tpu.region"() ({
          %run_scoped3A = tpu.sem_alloc : memref<!tpu.dma_semaphore, #tpu.memory_space<semaphore_mem>>
          %dma_start3A_132 = tpu.memref_slice %arg5[%add3A_125] : memref<320000xi32, #tpu.memory_space<hbm>> -> memref<1000xi32, #tpu.memory_space<hbm>>
          %dma_start3A_133 = tpu.memref_slice %arg5[%add3A_125] : memref<320000xi32, #tpu.memory_space<hbm>> -> memref<1000xi32, #tpu.memory_space<hbm>>
          tpu.enqueue_dma source(%dma_start3A_133 : memref<1000xi32, #tpu.memory_space<hbm>>) target(%arg10 : memref<1000xi32, #tpu.memory_space<vmem>>) target_semaphore(%run_scoped3A : memref<!tpu.dma_semaphore, #tpu.memory_space<semaphore_mem>>)
          %dma_wait3A_134 = tpu.memref_slice %arg5[%add3A_125] : memref<320000xi32, #tpu.memory_space<hbm>> -> memref<1000xi32, #tpu.memory_space<hbm>>
          %dma_wait3A_135 = tpu.memref_slice %arg5[%add3A_125] : memref<320000xi32, #tpu.memory_space<hbm>> -> memref<1000xi32, #tpu.memory_space<hbm>>
          tpu.wait_dma2 semaphore(%run_scoped3A : memref<!tpu.dma_semaphore, #tpu.memory_space<semaphore_mem>>) src(%dma_wait3A_135 : memref<1000xi32, #tpu.memory_space<hbm>>) dst(%arg10 : memref<1000xi32, #tpu.memory_space<vmem>>)
          tpu.yield
        }) : () -> ()
        "tpu.region"() ({
          %run_scoped3A = tpu.sem_alloc : memref<!tpu.dma_semaphore, #tpu.memory_space<semaphore_mem>>
          %dma_start3A_132 = tpu.memref_slice %arg6[%add3A_125] : memref<320000xi32, #tpu.memory_space<hbm>> -> memref<1000xi32, #tpu.memory_space<hbm>>
          %dma_start3A_133 = tpu.memref_slice %arg6[%add3A_125] : memref<320000xi32, #tpu.memory_space<hbm>> -> memref<1000xi32, #tpu.memory_space<hbm>>
          tpu.enqueue_dma source(%dma_start3A_133 : memref<1000xi32, #tpu.memory_space<hbm>>) target(%arg11 : memref<1000xi32, #tpu.memory_space<vmem>>) target_semaphore(%run_scoped3A : memref<!tpu.dma_semaphore, #tpu.memory_space<semaphore_mem>>)
          %dma_wait3A_134 = tpu.memref_slice %arg6[%add3A_125] : memref<320000xi32, #tpu.memory_space<hbm>> -> memref<1000xi32, #tpu.memory_space<hbm>>
          %dma_wait3A_135 = tpu.memref_slice %arg6[%add3A_125] : memref<320000xi32, #tpu.memory_space<hbm>> -> memref<1000xi32, #tpu.memory_space<hbm>>
          tpu.wait_dma2 semaphore(%run_scoped3A : memref<!tpu.dma_semaphore, #tpu.memory_space<semaphore_mem>>) src(%dma_wait3A_135 : memref<1000xi32, #tpu.memory_space<hbm>>) dst(%arg11 : memref<1000xi32, #tpu.memory_space<vmem>>)
          tpu.yield
        }) : () -> ()
        %dma_start3A_126 = arith.constant 0 : i32
        %dma_start3A_127 = arith.constant 0 : i32
        %dma_start3A_128 = tpu.memref_slice %arg2[%dma_start3A_126, %dma_start3A_127] : memref<10000x16xf32, #tpu.memory_space<hbm>> -> memref<10000x16xf32, #tpu.memory_space<hbm>>
        tpu.enqueue_indirect_dma source(%dma_start3A_128 : memref<10000x16xf32, #tpu.memory_space<hbm>>) target(%arg12 : memref<1000x16xf32, #tpu.memory_space<vmem>>) offsets(%arg10 : memref<1000xi32, #tpu.memory_space<vmem>>) semaphore(%arg14 : memref<!tpu.dma_semaphore, #tpu.memory_space<semaphore_mem>>)
        %dma_start3A_129 = arith.constant 0 : i32
        %dma_start3A_130 = arith.constant 0 : i32
        %dma_start3A_131 = tpu.memref_slice %arg3[%dma_start3A_129, %dma_start3A_130] : memref<10000x16xf32, #tpu.memory_space<hbm>> -> memref<10000x16xf32, #tpu.memory_space<hbm>>
        tpu.enqueue_indirect_dma source(%dma_start3A_131 : memref<10000x16xf32, #tpu.memory_space<hbm>>) target(%arg13 : memref<1000x16xf32, #tpu.memory_space<vmem>>) offsets(%arg11 : memref<1000xi32, #tpu.memory_space<vmem>>) semaphore(%arg14 : memref<!tpu.dma_semaphore, #tpu.memory_space<semaphore_mem>>)
      } else {
      }
      %mul3A_71 = arith.constant 2 : i32
      %mul3A_72 = arith.muli %mul3A_71, %scan3A_32 : i32
      %add3A_73 = arith.constant 1 : i32
      %add3A_74 = arith.addi %mul3A_72, %add3A_73 : i32
      %mul3A_75 = arith.constant 1000 : i32
      %mul3A_76 = arith.muli %add3A_74, %mul3A_75 : i32
      %add3A_77 = arith.addi %mul3A_6, %mul3A_76 : i32
      %jit3A_78 = arith.constant 8 : i32
      %div3A_79 = arith.divsi %add3A_77, %jit3A_78 : i32
      %sign3A_80 = arith.constant 0 : i32
      %sign3A_81 = arith.cmpi sgt, %add3A_77, %sign3A_80 : i32
      %sign3A_82 = arith.extui %sign3A_81 : i1 to i32
      %sign3A_83 = arith.constant 0 : i32
      %sign3A_84 = arith.cmpi slt, %add3A_77, %sign3A_83 : i32
      %sign3A_85 = arith.extui %sign3A_84 : i1 to i32
      %sign3A_86 = arith.subi %sign3A_82, %sign3A_85 : i32
      %sign3A_87 = arith.constant 0 : i32
      %sign3A_88 = arith.cmpi sgt, %jit3A_78, %sign3A_87 : i32
      %sign3A_89 = arith.extui %sign3A_88 : i1 to i32
      %sign3A_90 = arith.constant 0 : i32
      %sign3A_91 = arith.cmpi slt, %jit3A_78, %sign3A_90 : i32
      %sign3A_92 = arith.extui %sign3A_91 : i1 to i32
      %sign3A_93 = arith.subi %sign3A_89, %sign3A_92 : i32
      %ne3A_94 = arith.cmpi ne, %sign3A_86, %sign3A_93 : i32
      %rem3A_95 = arith.remsi %add3A_77, %jit3A_78 : i32
      %ne3A_96 = arith.constant 0 : i32
      %ne3A_97 = arith.cmpi ne, %rem3A_95, %ne3A_96 : i32
      %and3A_98 = arith.andi %ne3A_94, %ne3A_97 : i1
      %sub3A_99 = arith.constant 1 : i32
      %sub3A_100 = arith.subi %div3A_79, %sub3A_99 : i32
      %select_n3A_101 = arith.select %and3A_98, %sub3A_100, %div3A_79 : i32
      %dma_wait3A_102 = arith.constant 0 : i32
      %dma_wait3A_103 = arith.constant 0 : i32
      %dma_wait3A_104 = tpu.memref_slice %arg2[%dma_wait3A_102, %dma_wait3A_103] : memref<10000x16xf32, #tpu.memory_space<hbm>> -> memref<10000x16xf32, #tpu.memory_space<hbm>>
      tpu.wait_indirect_dma semaphore(%arg19 : memref<!tpu.dma_semaphore, #tpu.memory_space<semaphore_mem>>) src(%dma_wait3A_104 : memref<10000x16xf32, #tpu.memory_space<hbm>>) dst(%arg17 : memref<1000x16xf32, #tpu.memory_space<vmem>>)
      %dma_wait3A_105 = arith.constant 0 : i32
      %dma_wait3A_106 = arith.constant 0 : i32
      %dma_wait3A_107 = tpu.memref_slice %arg3[%dma_wait3A_105, %dma_wait3A_106] : memref<10000x16xf32, #tpu.memory_space<hbm>> -> memref<10000x16xf32, #tpu.memory_space<hbm>>
      tpu.wait_indirect_dma semaphore(%arg19 : memref<!tpu.dma_semaphore, #tpu.memory_space<semaphore_mem>>) src(%dma_wait3A_107 : memref<10000x16xf32, #tpu.memory_space<hbm>>) dst(%arg18 : memref<1000x16xf32, #tpu.memory_space<vmem>>)
      "tpu.region"() ({
        %run_scoped3A = tpu.sem_alloc : memref<!tpu.dma_semaphore, #tpu.memory_space<semaphore_mem>>
        %dma_start3A_121 = arith.constant 0 : i32
        %dma_start3A_122 = tpu.memref_slice %arg4[%select_n3A_101, %dma_start3A_121] : memref<40000x128xf32, #tpu.memory_space<hbm>> -> memref<125x128xf32, #tpu.memory_space<hbm>>
        %dma_start3A_123 = arith.constant 0 : i32
        %dma_start3A_124 = tpu.memref_slice %arg4[%select_n3A_101, %dma_start3A_123] : memref<40000x128xf32, #tpu.memory_space<hbm>> -> memref<125x128xf32, #tpu.memory_space<hbm>>
        tpu.enqueue_dma source(%dma_start3A_124 : memref<125x128xf32, #tpu.memory_space<hbm>>) target(%arg20 : memref<125x128xf32, #tpu.memory_space<vmem>>) target_semaphore(%run_scoped3A : memref<!tpu.dma_semaphore, #tpu.memory_space<semaphore_mem>>)
        %dma_wait3A_125 = arith.constant 0 : i32
        %dma_wait3A_126 = tpu.memref_slice %arg4[%select_n3A_101, %dma_wait3A_125] : memref<40000x128xf32, #tpu.memory_space<hbm>> -> memref<125x128xf32, #tpu.memory_space<hbm>>
        %dma_wait3A_127 = arith.constant 0 : i32
        %dma_wait3A_128 = tpu.memref_slice %arg4[%select_n3A_101, %dma_wait3A_127] : memref<40000x128xf32, #tpu.memory_space<hbm>> -> memref<125x128xf32, #tpu.memory_space<hbm>>
        tpu.wait_dma2 semaphore(%run_scoped3A : memref<!tpu.dma_semaphore, #tpu.memory_space<semaphore_mem>>) src(%dma_wait3A_128 : memref<125x128xf32, #tpu.memory_space<hbm>>) dst(%arg20 : memref<125x128xf32, #tpu.memory_space<vmem>>)
        tpu.yield
      }) : () -> ()
      %scan3A_108 = arith.constant 0 : i32
      %scan3A_109 = arith.constant 0 : i32
      %scan3A_110 = arith.constant 125 : i32
      %scan3A_111 = arith.addi %scan3A_109, %scan3A_110 : i32
      %scan3A_112 = arith.constant 1 : i32
      scf.for %scan3A_121 = %scan3A_109 to %scan3A_111 step %scan3A_112  : i32 {
        %mul3A_122 = arith.constant 8 : i32
        %mul3A_123 = arith.muli %scan3A_121, %mul3A_122 : i32
        %add3A_124 = arith.constant 0 : i32
        %add3A_125 = arith.addi %mul3A_123, %add3A_124 : i32
        %get3A = arith.index_cast %add3A_125 : i32 to index
        %get3A_126 = arith.constant 0 : index
        %get3A_127 = tpu.vector_load %arg17[%get3A, %get3A_126] {strides = array<i32>} : memref<1000x16xf32, #tpu.memory_space<vmem>>, vector<1x16xf32>,
        %get3A_128 = vector.shape_cast %get3A_127 : vector<1x16xf32> to vector<16xf32>
        %get3A_129 = arith.index_cast %add3A_125 : i32 to index
        %get3A_130 = arith.constant 0 : index
        %get3A_131 = tpu.vector_load %arg18[%get3A_129, %get3A_130] {strides = array<i32>} : memref<1000x16xf32, #tpu.memory_space<vmem>>, vector<1x16xf32>,
        %get3A_132 = vector.shape_cast %get3A_131 : vector<1x16xf32> to vector<16xf32>
        %add3A_133 = arith.addf %get3A_128, %get3A_132 : vector<16xf32>
        %get3A_134 = arith.index_cast %scan3A_121 : i32 to index
        %get3A_135 = arith.constant 0 : index
        %get3A_136 = tpu.vector_load %arg20[%get3A_134, %get3A_135] {strides = array<i32>} : memref<125x128xf32, #tpu.memory_space<vmem>>, vector<1x16xf32>,
        %get3A_137 = vector.shape_cast %get3A_136 : vector<1x16xf32> to vector<16xf32>
        %add3A_138 = arith.addf %add3A_133, %get3A_137 : vector<16xf32>
        %max3A = arith.constant 0.000000e+00 : f32
        %max3A_139 = vector.broadcast %max3A : f32 to vector<16xf32>
        %max3A_140 = arith.maximumf %add3A_138, %max3A_139 : vector<16xf32>
        %swap3A = arith.index_cast %add3A_125 : i32 to index
        %swap3A_141 = arith.constant 0 : index
        %swap3A_142 = tpu.vector_load %arg21[%swap3A, %swap3A_141] {strides = array<i32>} : memref<1000x16xf32, #tpu.memory_space<vmem>>, vector<1x16xf32>,
        %swap3A_143 = vector.shape_cast %swap3A_142 : vector<1x16xf32> to vector<16xf32>
        %swap3A_144 = vector.shape_cast %max3A_140 : vector<16xf32> to vector<1x16xf32>
        tpu.vector_store %arg21[%swap3A, %swap3A_141], %swap3A_144 {strides = array<i32>} : memref<1000x16xf32, #tpu.memory_space<vmem>>, vector<1x16xf32>,
        %mul3A_145 = arith.constant 8 : i32
        %mul3A_146 = arith.muli %scan3A_121, %mul3A_145 : i32
        %add3A_147 = arith.constant 1 : i32
        %add3A_148 = arith.addi %mul3A_146, %add3A_147 : i32
        %get3A_149 = arith.index_cast %add3A_148 : i32 to index
        %get3A_150 = arith.constant 0 : index
        %get3A_151 = tpu.vector_load %arg17[%get3A_149, %get3A_150] {strides = array<i32>} : memref<1000x16xf32, #tpu.memory_space<vmem>>, vector<1x16xf32>,
        %get3A_152 = vector.shape_cast %get3A_151 : vector<1x16xf32> to vector<16xf32>
        %get3A_153 = arith.index_cast %add3A_148 : i32 to index
        %get3A_154 = arith.constant 0 : index
        %get3A_155 = tpu.vector_load %arg18[%get3A_153, %get3A_154] {strides = array<i32>} : memref<1000x16xf32, #tpu.memory_space<vmem>>, vector<1x16xf32>,
        %get3A_156 = vector.shape_cast %get3A_155 : vector<1x16xf32> to vector<16xf32>
        %add3A_157 = arith.addf %get3A_152, %get3A_156 : vector<16xf32>
        %get3A_158 = arith.index_cast %scan3A_121 : i32 to index
        %get3A_159 = arith.constant 16 : index
        %get3A_160 = tpu.vector_load %arg20[%get3A_158, %get3A_159] {strides = array<i32>} : memref<125x128xf32, #tpu.memory_space<vmem>>, vector<1x16xf32>,
        %get3A_161 = vector.shape_cast %get3A_160 : vector<1x16xf32> to vector<16xf32>
        %add3A_162 = arith.addf %add3A_157, %get3A_161 : vector<16xf32>
        %max3A_163 = arith.constant 0.000000e+00 : f32
        %max3A_164 = vector.broadcast %max3A_163 : f32 to vector<16xf32>
        %max3A_165 = arith.maximumf %add3A_162, %max3A_164 : vector<16xf32>
        %swap3A_166 = arith.index_cast %add3A_148 : i32 to index
        %swap3A_167 = arith.constant 0 : index
        %swap3A_168 = tpu.vector_load %arg21[%swap3A_166, %swap3A_167] {strides = array<i32>} : memref<1000x16xf32, #tpu.memory_space<vmem>>, vector<1x16xf32>,
        %swap3A_169 = vector.shape_cast %swap3A_168 : vector<1x16xf32> to vector<16xf32>
        %swap3A_170 = vector.shape_cast %max3A_165 : vector<16xf32> to vector<1x16xf32>
        tpu.vector_store %arg21[%swap3A_166, %swap3A_167], %swap3A_170 {strides = array<i32>} : memref<1000x16xf32, #tpu.memory_space<vmem>>, vector<1x16xf32>,
        %mul3A_171 = arith.constant 8 : i32
        %mul3A_172 = arith.muli %scan3A_121, %mul3A_171 : i32
        %add3A_173 = arith.constant 2 : i32
        %add3A_174 = arith.addi %mul3A_172, %add3A_173 : i32
        %get3A_175 = arith.index_cast %add3A_174 : i32 to index
        %get3A_176 = arith.constant 0 : index
        %get3A_177 = tpu.vector_load %arg17[%get3A_175, %get3A_176] {strides = array<i32>} : memref<1000x16xf32, #tpu.memory_space<vmem>>, vector<1x16xf32>,
        %get3A_178 = vector.shape_cast %get3A_177 : vector<1x16xf32> to vector<16xf32>
        %get3A_179 = arith.index_cast %add3A_174 : i32 to index
        %get3A_180 = arith.constant 0 : index
        %get3A_181 = tpu.vector_load %arg18[%get3A_179, %get3A_180] {strides = array<i32>} : memref<1000x16xf32, #tpu.memory_space<vmem>>, vector<1x16xf32>,
        %get3A_182 = vector.shape_cast %get3A_181 : vector<1x16xf32> to vector<16xf32>
        %add3A_183 = arith.addf %get3A_178, %get3A_182 : vector<16xf32>
        %get3A_184 = arith.index_cast %scan3A_121 : i32 to index
        %get3A_185 = arith.constant 32 : index
        %get3A_186 = tpu.vector_load %arg20[%get3A_184, %get3A_185] {strides = array<i32>} : memref<125x128xf32, #tpu.memory_space<vmem>>, vector<1x16xf32>,
        %get3A_187 = vector.shape_cast %get3A_186 : vector<1x16xf32> to vector<16xf32>
        %add3A_188 = arith.addf %add3A_183, %get3A_187 : vector<16xf32>
        %max3A_189 = arith.constant 0.000000e+00 : f32
        %max3A_190 = vector.broadcast %max3A_189 : f32 to vector<16xf32>
        %max3A_191 = arith.maximumf %add3A_188, %max3A_190 : vector<16xf32>
        %swap3A_192 = arith.index_cast %add3A_174 : i32 to index
        %swap3A_193 = arith.constant 0 : index
        %swap3A_194 = tpu.vector_load %arg21[%swap3A_192, %swap3A_193] {strides = array<i32>} : memref<1000x16xf32, #tpu.memory_space<vmem>>, vector<1x16xf32>,
        %swap3A_195 = vector.shape_cast %swap3A_194 : vector<1x16xf32> to vector<16xf32>
        %swap3A_196 = vector.shape_cast %max3A_191 : vector<16xf32> to vector<1x16xf32>
        tpu.vector_store %arg21[%swap3A_192, %swap3A_193], %swap3A_196 {strides = array<i32>} : memref<1000x16xf32, #tpu.memory_space<vmem>>, vector<1x16xf32>,
        %mul3A_197 = arith.constant 8 : i32
        %mul3A_198 = arith.muli %scan3A_121, %mul3A_197 : i32
        %add3A_199 = arith.constant 3 : i32
        %add3A_200 = arith.addi %mul3A_198, %add3A_199 : i32
        %get3A_201 = arith.index_cast %add3A_200 : i32 to index
        %get3A_202 = arith.constant 0 : index
        %get3A_203 = tpu.vector_load %arg17[%get3A_201, %get3A_202] {strides = array<i32>} : memref<1000x16xf32, #tpu.memory_space<vmem>>, vector<1x16xf32>,
        %get3A_204 = vector.shape_cast %get3A_203 : vector<1x16xf32> to vector<16xf32>
        %get3A_205 = arith.index_cast %add3A_200 : i32 to index
        %get3A_206 = arith.constant 0 : index
        %get3A_207 = tpu.vector_load %arg18[%get3A_205, %get3A_206] {strides = array<i32>} : memref<1000x16xf32, #tpu.memory_space<vmem>>, vector<1x16xf32>,
        %get3A_208 = vector.shape_cast %get3A_207 : vector<1x16xf32> to vector<16xf32>
        %add3A_209 = arith.addf %get3A_204, %get3A_208 : vector<16xf32>
        %get3A_210 = arith.index_cast %scan3A_121 : i32 to index
        %get3A_211 = arith.constant 48 : index
        %get3A_212 = tpu.vector_load %arg20[%get3A_210, %get3A_211] {strides = array<i32>} : memref<125x128xf32, #tpu.memory_space<vmem>>, vector<1x16xf32>,
        %get3A_213 = vector.shape_cast %get3A_212 : vector<1x16xf32> to vector<16xf32>
        %add3A_214 = arith.addf %add3A_209, %get3A_213 : vector<16xf32>
        %max3A_215 = arith.constant 0.000000e+00 : f32
        %max3A_216 = vector.broadcast %max3A_215 : f32 to vector<16xf32>
        %max3A_217 = arith.maximumf %add3A_214, %max3A_216 : vector<16xf32>
        %swap3A_218 = arith.index_cast %add3A_200 : i32 to index
        %swap3A_219 = arith.constant 0 : index
        %swap3A_220 = tpu.vector_load %arg21[%swap3A_218, %swap3A_219] {strides = array<i32>} : memref<1000x16xf32, #tpu.memory_space<vmem>>, vector<1x16xf32>,
        %swap3A_221 = vector.shape_cast %swap3A_220 : vector<1x16xf32> to vector<16xf32>
        %swap3A_222 = vector.shape_cast %max3A_217 : vector<16xf32> to vector<1x16xf32>
        tpu.vector_store %arg21[%swap3A_218, %swap3A_219], %swap3A_222 {strides = array<i32>} : memref<1000x16xf32, #tpu.memory_space<vmem>>, vector<1x16xf32>,
        %mul3A_223 = arith.constant 8 : i32
        %mul3A_224 = arith.muli %scan3A_121, %mul3A_223 : i32
        %add3A_225 = arith.constant 4 : i32
        %add3A_226 = arith.addi %mul3A_224, %add3A_225 : i32
        %get3A_227 = arith.index_cast %add3A_226 : i32 to index
        %get3A_228 = arith.constant 0 : index
        %get3A_229 = tpu.vector_load %arg17[%get3A_227, %get3A_228] {strides = array<i32>} : memref<1000x16xf32, #tpu.memory_space<vmem>>, vector<1x16xf32>,
        %get3A_230 = vector.shape_cast %get3A_229 : vector<1x16xf32> to vector<16xf32>
        %get3A_231 = arith.index_cast %add3A_226 : i32 to index
        %get3A_232 = arith.constant 0 : index
        %get3A_233 = tpu.vector_load %arg18[%get3A_231, %get3A_232] {strides = array<i32>} : memref<1000x16xf32, #tpu.memory_space<vmem>>, vector<1x16xf32>,
        %get3A_234 = vector.shape_cast %get3A_233 : vector<1x16xf32> to vector<16xf32>
        %add3A_235 = arith.addf %get3A_230, %get3A_234 : vector<16xf32>
        %get3A_236 = arith.index_cast %scan3A_121 : i32 to index
        %get3A_237 = arith.constant 64 : index
        %get3A_238 = tpu.vector_load %arg20[%get3A_236, %get3A_237] {strides = array<i32>} : memref<125x128xf32, #tpu.memory_space<vmem>>, vector<1x16xf32>,
        %get3A_239 = vector.shape_cast %get3A_238 : vector<1x16xf32> to vector<16xf32>
        %add3A_240 = arith.addf %add3A_235, %get3A_239 : vector<16xf32>
        %max3A_241 = arith.constant 0.000000e+00 : f32
        %max3A_242 = vector.broadcast %max3A_241 : f32 to vector<16xf32>
        %max3A_243 = arith.maximumf %add3A_240, %max3A_242 : vector<16xf32>
        %swap3A_244 = arith.index_cast %add3A_226 : i32 to index
        %swap3A_245 = arith.constant 0 : index
        %swap3A_246 = tpu.vector_load %arg21[%swap3A_244, %swap3A_245] {strides = array<i32>} : memref<1000x16xf32, #tpu.memory_space<vmem>>, vector<1x16xf32>,
        %swap3A_247 = vector.shape_cast %swap3A_246 : vector<1x16xf32> to vector<16xf32>
        %swap3A_248 = vector.shape_cast %max3A_243 : vector<16xf32> to vector<1x16xf32>
        tpu.vector_store %arg21[%swap3A_244, %swap3A_245], %swap3A_248 {strides = array<i32>} : memref<1000x16xf32, #tpu.memory_space<vmem>>, vector<1x16xf32>,
        %mul3A_249 = arith.constant 8 : i32
        %mul3A_250 = arith.muli %scan3A_121, %mul3A_249 : i32
        %add3A_251 = arith.constant 5 : i32
        %add3A_252 = arith.addi %mul3A_250, %add3A_251 : i32
        %get3A_253 = arith.index_cast %add3A_252 : i32 to index
        %get3A_254 = arith.constant 0 : index
        %get3A_255 = tpu.vector_load %arg17[%get3A_253, %get3A_254] {strides = array<i32>} : memref<1000x16xf32, #tpu.memory_space<vmem>>, vector<1x16xf32>,
        %get3A_256 = vector.shape_cast %get3A_255 : vector<1x16xf32> to vector<16xf32>
        %get3A_257 = arith.index_cast %add3A_252 : i32 to index
        %get3A_258 = arith.constant 0 : index
        %get3A_259 = tpu.vector_load %arg18[%get3A_257, %get3A_258] {strides = array<i32>} : memref<1000x16xf32, #tpu.memory_space<vmem>>, vector<1x16xf32>,
        %get3A_260 = vector.shape_cast %get3A_259 : vector<1x16xf32> to vector<16xf32>
        %add3A_261 = arith.addf %get3A_256, %get3A_260 : vector<16xf32>
        %get3A_262 = arith.index_cast %scan3A_121 : i32 to index
        %get3A_263 = arith.constant 80 : index
        %get3A_264 = tpu.vector_load %arg20[%get3A_262, %get3A_263] {strides = array<i32>} : memref<125x128xf32, #tpu.memory_space<vmem>>, vector<1x16xf32>,
        %get3A_265 = vector.shape_cast %get3A_264 : vector<1x16xf32> to vector<16xf32>
        %add3A_266 = arith.addf %add3A_261, %get3A_265 : vector<16xf32>
        %max3A_267 = arith.constant 0.000000e+00 : f32
        %max3A_268 = vector.broadcast %max3A_267 : f32 to vector<16xf32>
        %max3A_269 = arith.maximumf %add3A_266, %max3A_268 : vector<16xf32>
        %swap3A_270 = arith.index_cast %add3A_252 : i32 to index
        %swap3A_271 = arith.constant 0 : index
        %swap3A_272 = tpu.vector_load %arg21[%swap3A_270, %swap3A_271] {strides = array<i32>} : memref<1000x16xf32, #tpu.memory_space<vmem>>, vector<1x16xf32>,
        %swap3A_273 = vector.shape_cast %swap3A_272 : vector<1x16xf32> to vector<16xf32>
        %swap3A_274 = vector.shape_cast %max3A_269 : vector<16xf32> to vector<1x16xf32>
        tpu.vector_store %arg21[%swap3A_270, %swap3A_271], %swap3A_274 {strides = array<i32>} : memref<1000x16xf32, #tpu.memory_space<vmem>>, vector<1x16xf32>,
        %mul3A_275 = arith.constant 8 : i32
        %mul3A_276 = arith.muli %scan3A_121, %mul3A_275 : i32
        %add3A_277 = arith.constant 6 : i32
        %add3A_278 = arith.addi %mul3A_276, %add3A_277 : i32
        %get3A_279 = arith.index_cast %add3A_278 : i32 to index
        %get3A_280 = arith.constant 0 : index
        %get3A_281 = tpu.vector_load %arg17[%get3A_279, %get3A_280] {strides = array<i32>} : memref<1000x16xf32, #tpu.memory_space<vmem>>, vector<1x16xf32>,
        %get3A_282 = vector.shape_cast %get3A_281 : vector<1x16xf32> to vector<16xf32>
        %get3A_283 = arith.index_cast %add3A_278 : i32 to index
        %get3A_284 = arith.constant 0 : index
        %get3A_285 = tpu.vector_load %arg18[%get3A_283, %get3A_284] {strides = array<i32>} : memref<1000x16xf32, #tpu.memory_space<vmem>>, vector<1x16xf32>,
        %get3A_286 = vector.shape_cast %get3A_285 : vector<1x16xf32> to vector<16xf32>
        %add3A_287 = arith.addf %get3A_282, %get3A_286 : vector<16xf32>
        %get3A_288 = arith.index_cast %scan3A_121 : i32 to index
        %get3A_289 = arith.constant 96 : index
        %get3A_290 = tpu.vector_load %arg20[%get3A_288, %get3A_289] {strides = array<i32>} : memref<125x128xf32, #tpu.memory_space<vmem>>, vector<1x16xf32>,
        %get3A_291 = vector.shape_cast %get3A_290 : vector<1x16xf32> to vector<16xf32>
        %add3A_292 = arith.addf %add3A_287, %get3A_291 : vector<16xf32>
        %max3A_293 = arith.constant 0.000000e+00 : f32
        %max3A_294 = vector.broadcast %max3A_293 : f32 to vector<16xf32>
        %max3A_295 = arith.maximumf %add3A_292, %max3A_294 : vector<16xf32>
        %swap3A_296 = arith.index_cast %add3A_278 : i32 to index
        %swap3A_297 = arith.constant 0 : index
        %swap3A_298 = tpu.vector_load %arg21[%swap3A_296, %swap3A_297] {strides = array<i32>} : memref<1000x16xf32, #tpu.memory_space<vmem>>, vector<1x16xf32>,
        %swap3A_299 = vector.shape_cast %swap3A_298 : vector<1x16xf32> to vector<16xf32>
        %swap3A_300 = vector.shape_cast %max3A_295 : vector<16xf32> to vector<1x16xf32>
        tpu.vector_store %arg21[%swap3A_296, %swap3A_297], %swap3A_300 {strides = array<i32>} : memref<1000x16xf32, #tpu.memory_space<vmem>>, vector<1x16xf32>,
        %mul3A_301 = arith.constant 8 : i32
        %mul3A_302 = arith.muli %scan3A_121, %mul3A_301 : i32
        %add3A_303 = arith.constant 7 : i32
        %add3A_304 = arith.addi %mul3A_302, %add3A_303 : i32
        %get3A_305 = arith.index_cast %add3A_304 : i32 to index
        %get3A_306 = arith.constant 0 : index
        %get3A_307 = tpu.vector_load %arg17[%get3A_305, %get3A_306] {strides = array<i32>} : memref<1000x16xf32, #tpu.memory_space<vmem>>, vector<1x16xf32>,
        %get3A_308 = vector.shape_cast %get3A_307 : vector<1x16xf32> to vector<16xf32>
        %get3A_309 = arith.index_cast %add3A_304 : i32 to index
        %get3A_310 = arith.constant 0 : index
        %get3A_311 = tpu.vector_load %arg18[%get3A_309, %get3A_310] {strides = array<i32>} : memref<1000x16xf32, #tpu.memory_space<vmem>>, vector<1x16xf32>,
        %get3A_312 = vector.shape_cast %get3A_311 : vector<1x16xf32> to vector<16xf32>
        %add3A_313 = arith.addf %get3A_308, %get3A_312 : vector<16xf32>
        %get3A_314 = arith.index_cast %scan3A_121 : i32 to index
        %get3A_315 = arith.constant 112 : index
        %get3A_316 = tpu.vector_load %arg20[%get3A_314, %get3A_315] {strides = array<i32>} : memref<125x128xf32, #tpu.memory_space<vmem>>, vector<1x16xf32>,
        %get3A_317 = vector.shape_cast %get3A_316 : vector<1x16xf32> to vector<16xf32>
        %add3A_318 = arith.addf %add3A_313, %get3A_317 : vector<16xf32>
        %max3A_319 = arith.constant 0.000000e+00 : f32
        %max3A_320 = vector.broadcast %max3A_319 : f32 to vector<16xf32>
        %max3A_321 = arith.maximumf %add3A_318, %max3A_320 : vector<16xf32>
        %swap3A_322 = arith.index_cast %add3A_304 : i32 to index
        %swap3A_323 = arith.constant 0 : index
        %swap3A_324 = tpu.vector_load %arg21[%swap3A_322, %swap3A_323] {strides = array<i32>} : memref<1000x16xf32, #tpu.memory_space<vmem>>, vector<1x16xf32>,
        %swap3A_325 = vector.shape_cast %swap3A_324 : vector<1x16xf32> to vector<16xf32>
        %swap3A_326 = vector.shape_cast %max3A_321 : vector<16xf32> to vector<1x16xf32>
        tpu.vector_store %arg21[%swap3A_322, %swap3A_323], %swap3A_326 {strides = array<i32>} : memref<1000x16xf32, #tpu.memory_space<vmem>>, vector<1x16xf32>,
      }
      %scan3A_113 = arith.constant 125 : i32
      "tpu.region"() ({
        %run_scoped3A = tpu.sem_alloc : memref<!tpu.dma_semaphore, #tpu.memory_space<semaphore_mem>>
        %dma_start3A_121 = arith.constant 0 : i32
        %dma_start3A_122 = tpu.memref_slice %arg8[%add3A_77, %dma_start3A_121] : memref<320000x16xf32, #tpu.memory_space<hbm>> -> memref<1000x16xf32, #tpu.memory_space<hbm>>
        %dma_start3A_123 = arith.constant 0 : i32
        %dma_start3A_124 = tpu.memref_slice %arg8[%add3A_77, %dma_start3A_123] : memref<320000x16xf32, #tpu.memory_space<hbm>> -> memref<1000x16xf32, #tpu.memory_space<hbm>>
        tpu.enqueue_dma source(%arg21 : memref<1000x16xf32, #tpu.memory_space<vmem>>) target(%dma_start3A_124 : memref<1000x16xf32, #tpu.memory_space<hbm>>) target_semaphore(%run_scoped3A : memref<!tpu.dma_semaphore, #tpu.memory_space<semaphore_mem>>)
        %dma_wait3A_125 = arith.constant 0 : i32
        %dma_wait3A_126 = tpu.memref_slice %arg8[%add3A_77, %dma_wait3A_125] : memref<320000x16xf32, #tpu.memory_space<hbm>> -> memref<1000x16xf32, #tpu.memory_space<hbm>>
        %dma_wait3A_127 = arith.constant 0 : i32
        %dma_wait3A_128 = tpu.memref_slice %arg8[%add3A_77, %dma_wait3A_127] : memref<320000x16xf32, #tpu.memory_space<hbm>> -> memref<1000x16xf32, #tpu.memory_space<hbm>>
        tpu.wait_dma2 semaphore(%run_scoped3A : memref<!tpu.dma_semaphore, #tpu.memory_space<semaphore_mem>>) src(%arg21 : memref<1000x16xf32, #tpu.memory_space<vmem>>) dst(%dma_wait3A_128 : memref<1000x16xf32, #tpu.memory_space<hbm>>)
        tpu.yield
      }) : () -> ()
      "tpu.region"() ({
        %run_scoped3A = tpu.sem_alloc : memref<!tpu.dma_semaphore, #tpu.memory_space<semaphore_mem>>
        %dma_start3A_121 = arith.constant 0 : i32
        %dma_start3A_122 = arith.constant 0 : i32
        %dma_start3A_123 = tpu.memref_slice %arg22[%dma_start3A_121, %dma_start3A_122] : memref<10240x16xf32, #tpu.memory_space<vmem_shared>> -> memref<10240x16xf32, #tpu.memory_space<vmem_shared>>
        tpu.enqueue_indirect_dma source(%arg21 : memref<1000x16xf32, #tpu.memory_space<vmem>>) target(%dma_start3A_123 : memref<10240x16xf32, #tpu.memory_space<vmem_shared>>) offsets(%arg16 : memref<1000xi32, #tpu.memory_space<vmem>>) semaphore(%run_scoped3A : memref<!tpu.dma_semaphore, #tpu.memory_space<semaphore_mem>>) {add = true}
        %dma_wait3A_124 = arith.constant 0 : i32
        %dma_wait3A_125 = arith.constant 0 : i32
        %dma_wait3A_126 = tpu.memref_slice %arg22[%dma_wait3A_124, %dma_wait3A_125] : memref<10240x16xf32, #tpu.memory_space<vmem_shared>> -> memref<10240x16xf32, #tpu.memory_space<vmem_shared>>
        tpu.wait_indirect_dma semaphore(%run_scoped3A : memref<!tpu.dma_semaphore, #tpu.memory_space<semaphore_mem>>) src(%arg21 : memref<1000x16xf32, #tpu.memory_space<vmem>>) dst(%dma_wait3A_126 : memref<10240x16xf32, #tpu.memory_space<vmem_shared>>)
        tpu.yield
      }) : () -> ()
      %add3A_114 = arith.constant 2 : i32
      %add3A_115 = arith.addi %add3A_74, %add3A_114 : i32
      %lt3A_116 = arith.constant 10 : i32
      %lt3A_117 = arith.cmpi slt, %add3A_115, %lt3A_116 : i32
      %convert_element_type3A_118 = arith.extui %lt3A_117 : i1 to i32
      %cond3A_119 = arith.constant 0 : i32
      %cond3A_120 = arith.cmpi ne, %convert_element_type3A_118, %cond3A_119 : i32
      scf.if %cond3A_120 {
        %add3A_121 = arith.constant 2 : i32
        %add3A_122 = arith.addi %add3A_74, %add3A_121 : i32
        %mul3A_123 = arith.constant 1000 : i32
        %mul3A_124 = arith.muli %add3A_122, %mul3A_123 : i32
        %add3A_125 = arith.addi %mul3A_6, %mul3A_124 : i32
        "tpu.region"() ({
          %run_scoped3A = tpu.sem_alloc : memref<!tpu.dma_semaphore, #tpu.memory_space<semaphore_mem>>
          %dma_start3A_132 = tpu.memref_slice %arg5[%add3A_125] : memref<320000xi32, #tpu.memory_space<hbm>> -> memref<1000xi32, #tpu.memory_space<hbm>>
          %dma_start3A_133 = tpu.memref_slice %arg5[%add3A_125] : memref<320000xi32, #tpu.memory_space<hbm>> -> memref<1000xi32, #tpu.memory_space<hbm>>
          tpu.enqueue_dma source(%dma_start3A_133 : memref<1000xi32, #tpu.memory_space<hbm>>) target(%arg15 : memref<1000xi32, #tpu.memory_space<vmem>>) target_semaphore(%run_scoped3A : memref<!tpu.dma_semaphore, #tpu.memory_space<semaphore_mem>>)
          %dma_wait3A_134 = tpu.memref_slice %arg5[%add3A_125] : memref<320000xi32, #tpu.memory_space<hbm>> -> memref<1000xi32, #tpu.memory_space<hbm>>
          %dma_wait3A_135 = tpu.memref_slice %arg5[%add3A_125] : memref<320000xi32, #tpu.memory_space<hbm>> -> memref<1000xi32, #tpu.memory_space<hbm>>
          tpu.wait_dma2 semaphore(%run_scoped3A : memref<!tpu.dma_semaphore, #tpu.memory_space<semaphore_mem>>) src(%dma_wait3A_135 : memref<1000xi32, #tpu.memory_space<hbm>>) dst(%arg15 : memref<1000xi32, #tpu.memory_space<vmem>>)
          tpu.yield
        }) : () -> ()
        "tpu.region"() ({
          %run_scoped3A = tpu.sem_alloc : memref<!tpu.dma_semaphore, #tpu.memory_space<semaphore_mem>>
          %dma_start3A_132 = tpu.memref_slice %arg6[%add3A_125] : memref<320000xi32, #tpu.memory_space<hbm>> -> memref<1000xi32, #tpu.memory_space<hbm>>
          %dma_start3A_133 = tpu.memref_slice %arg6[%add3A_125] : memref<320000xi32, #tpu.memory_space<hbm>> -> memref<1000xi32, #tpu.memory_space<hbm>>
          tpu.enqueue_dma source(%dma_start3A_133 : memref<1000xi32, #tpu.memory_space<hbm>>) target(%arg16 : memref<1000xi32, #tpu.memory_space<vmem>>) target_semaphore(%run_scoped3A : memref<!tpu.dma_semaphore, #tpu.memory_space<semaphore_mem>>)
          %dma_wait3A_134 = tpu.memref_slice %arg6[%add3A_125] : memref<320000xi32, #tpu.memory_space<hbm>> -> memref<1000xi32, #tpu.memory_space<hbm>>
          %dma_wait3A_135 = tpu.memref_slice %arg6[%add3A_125] : memref<320000xi32, #tpu.memory_space<hbm>> -> memref<1000xi32, #tpu.memory_space<hbm>>
          tpu.wait_dma2 semaphore(%run_scoped3A : memref<!tpu.dma_semaphore, #tpu.memory_space<semaphore_mem>>) src(%dma_wait3A_135 : memref<1000xi32, #tpu.memory_space<hbm>>) dst(%arg16 : memref<1000xi32, #tpu.memory_space<vmem>>)
          tpu.yield
        }) : () -> ()
        %dma_start3A_126 = arith.constant 0 : i32
        %dma_start3A_127 = arith.constant 0 : i32
        %dma_start3A_128 = tpu.memref_slice %arg2[%dma_start3A_126, %dma_start3A_127] : memref<10000x16xf32, #tpu.memory_space<hbm>> -> memref<10000x16xf32, #tpu.memory_space<hbm>>
        tpu.enqueue_indirect_dma source(%dma_start3A_128 : memref<10000x16xf32, #tpu.memory_space<hbm>>) target(%arg17 : memref<1000x16xf32, #tpu.memory_space<vmem>>) offsets(%arg15 : memref<1000xi32, #tpu.memory_space<vmem>>) semaphore(%arg19 : memref<!tpu.dma_semaphore, #tpu.memory_space<semaphore_mem>>)
        %dma_start3A_129 = arith.constant 0 : i32
        %dma_start3A_130 = arith.constant 0 : i32
        %dma_start3A_131 = tpu.memref_slice %arg3[%dma_start3A_129, %dma_start3A_130] : memref<10000x16xf32, #tpu.memory_space<hbm>> -> memref<10000x16xf32, #tpu.memory_space<hbm>>
        tpu.enqueue_indirect_dma source(%dma_start3A_131 : memref<10000x16xf32, #tpu.memory_space<hbm>>) target(%arg18 : memref<1000x16xf32, #tpu.memory_space<vmem>>) offsets(%arg16 : memref<1000xi32, #tpu.memory_space<vmem>>) semaphore(%arg19 : memref<!tpu.dma_semaphore, #tpu.memory_space<semaphore_mem>>)
      } else {
      }
    }
    %scan3A_26 = arith.constant 5 : i32
    %barrier3A_27 = arith.constant 0 : index
    tpu.barrier barrier_id(%barrier3A_27)
    %mul3A_28 = arith.constant 640 : i32
    %mul3A_29 = arith.muli %arg1, %mul3A_28 : i32
    %mul3A_30 = arith.constant 640 : i32
    %mul3A_31 = arith.muli %arg1, %mul3A_30 : i32
    "tpu.region"() ({
      %run_scoped3A = tpu.sem_alloc : memref<!tpu.dma_semaphore, #tpu.memory_space<semaphore_mem>>
      %dma_start3A_32 = arith.constant 0 : i32
      %dma_start3A_33 = tpu.memref_slice %arg9[%arg0, %mul3A_31, %dma_start3A_32] : memref<2x10240x16xf32, #tpu.memory_space<hbm>> -> memref<1x640x16xf32, #tpu.memory_space<hbm>>
      %dma_start3A_34 = tpu.memref_squeeze %dma_start3A_33 : memref<1x640x16xf32, #tpu.memory_space<hbm>> -> memref<640x16xf32, #tpu.memory_space<hbm>>
      %dma_start3A_35 = arith.constant 0 : i32
      %dma_start3A_36 = tpu.memref_slice %arg22[%mul3A_29, %dma_start3A_35] : memref<10240x16xf32, #tpu.memory_space<vmem_shared>> -> memref<640x16xf32, #tpu.memory_space<vmem_shared>>
      tpu.enqueue_dma source(%dma_start3A_36 : memref<640x16xf32, #tpu.memory_space<vmem_shared>>) target(%dma_start3A_34 : memref<640x16xf32, #tpu.memory_space<hbm>>) target_semaphore(%run_scoped3A : memref<!tpu.dma_semaphore, #tpu.memory_space<semaphore_mem>>)
      %dma_wait3A = arith.constant 0 : i32
      %dma_wait3A_37 = tpu.memref_slice %arg9[%arg0, %mul3A_31, %dma_wait3A] : memref<2x10240x16xf32, #tpu.memory_space<hbm>> -> memref<1x640x16xf32, #tpu.memory_space<hbm>>
      %dma_wait3A_38 = tpu.memref_squeeze %dma_wait3A_37 : memref<1x640x16xf32, #tpu.memory_space<hbm>> -> memref<640x16xf32, #tpu.memory_space<hbm>>
      %dma_wait3A_39 = arith.constant 0 : i32
      %dma_wait3A_40 = tpu.memref_slice %arg22[%mul3A_29, %dma_wait3A_39] : memref<10240x16xf32, #tpu.memory_space<vmem_shared>> -> memref<640x16xf32, #tpu.memory_space<vmem_shared>>
      tpu.wait_dma2 semaphore(%run_scoped3A : memref<!tpu.dma_semaphore, #tpu.memory_space<semaphore_mem>>) src(%dma_wait3A_40 : memref<640x16xf32, #tpu.memory_space<vmem_shared>>) dst(%dma_wait3A_38 : memref<640x16xf32, #tpu.memory_space<hbm>>)
      tpu.yield
    }) : () -> ()
    return
  }
}

module attributes {stable_mosaic.version = 14 : i64} {
  func.func @_c_body(%arg0: i32, %arg1: memref<4000x128xf32, #tpu.memory_space<vmem>>, %arg2: memref<128x128xf32, #tpu.memory_space<vmem>>, %arg3: memref<1x128xf32, #tpu.memory_space<vmem>>, %arg4: memref<4000x128xf32, #tpu.memory_space<vmem>>) attributes {dimension_semantics = [#tpu.dimension_semantics<arbitrary>], iteration_bounds = array<i64: 10>, scalar_prefetch = 0 : i64, scratch_operands = 0 : i64, tpu.core_type = #tpu.core_type<tc>, window_params = [{transform_indices = @transform_0, window_bounds = array<i64: 4000, 128>}, {pipeline_mode = #tpu.pipeline_mode<synchronous>, transform_indices = @transform_1, window_bounds = array<i64: 128, 128>}, {pipeline_mode = #tpu.pipeline_mode<synchronous>, transform_indices = @transform_2, window_bounds = array<i64: 1, 128>}, {transform_indices = @transform_3, window_bounds = array<i64: 4000, 128>}]} {
    %get3A = arith.constant 0 : index
    %get3A_0 = arith.constant 0 : index
    %get3A_1 = vector.load %arg1[%get3A, %get3A_0] : memref<4000x128xf32, #tpu.memory_space<vmem>>, vector<4000x128xf32>
    %get3A_2 = arith.constant 0 : index
    %get3A_3 = arith.constant 0 : index
    %get3A_4 = vector.load %arg2[%get3A_2, %get3A_3] : memref<128x128xf32, #tpu.memory_space<vmem>>, vector<128x128xf32>
    %dot_general3A = arith.constant dense<0.000000e+00> : vector<4000x128xf32>
    %dot_general3A_5 = tpu.matmul %get3A_1, %get3A_4, %dot_general3A {dimension_numbers = #tpu.dot_dimension_numbers<[1], [0], [0], [1], [0, 0, 1, 1], [], []>, precision = #tpu.contract_precision<fp32>, transpose_lhs_hint = false} : vector<4000x128xf32>, vector<128x128xf32>, vector<4000x128xf32> -> vector<4000x128xf32>
    %get3A_6 = arith.constant 0 : index
    %get3A_7 = arith.constant 0 : index
    %get3A_8 = vector.load %arg3[%get3A_6, %get3A_7] : memref<1x128xf32, #tpu.memory_space<vmem>>, vector<1x128xf32>
    %add3A = vector.broadcast %get3A_8 : vector<1x128xf32> to vector<4000x128xf32>
    %add3A_9 = arith.addf %dot_general3A_5, %add3A : vector<4000x128xf32>
    %swap3A = arith.constant 0 : index
    %swap3A_10 = arith.constant 0 : index
    %swap3A_11 = vector.load %arg4[%swap3A, %swap3A_10] : memref<4000x128xf32, #tpu.memory_space<vmem>>, vector<4000x128xf32>
    tpu.vector_store %arg4[%swap3A, %swap3A_10], %add3A_9 {strides = array<i32>} : memref<4000x128xf32, #tpu.memory_space<vmem>>, vector<4000x128xf32>,
    return
  }
  func.func @transform_0(%arg0: i32) -> (i32, i32) {
    %c0_i32 = arith.constant 0 : i32
    %c0_i32_0 = arith.constant 0 : i32
    return %arg0, %c0_i32 : i32, i32
  }
  func.func @transform_1(%arg0: i32) -> (i32, i32) {
    %c0_i32 = arith.constant 0 : i32
    %c0_i32_0 = arith.constant 0 : i32
    %c0_i32_1 = arith.constant 0 : i32
    return %c0_i32, %c0_i32_0 : i32, i32
  }
  func.func @transform_2(%arg0: i32) -> (i32, i32) {
    %c0_i32 = arith.constant 0 : i32
    %c0_i32_0 = arith.constant 0 : i32
    %c0_i32_1 = arith.constant 0 : i32
    return %c0_i32, %c0_i32_0 : i32, i32
  }
  func.func @transform_3(%arg0: i32) -> (i32, i32) {
    %c0_i32 = arith.constant 0 : i32
    %c0_i32_0 = arith.constant 0 : i32
    return %arg0, %c0_i32 : i32, i32
  }
}

module attributes {stable_mosaic.version = 14 : i64} {
  func.func @_ab_body(%arg0: memref<1250x1024xf32, #tpu.memory_space<vmem>>, %arg1: memref<1250x128xf32, #tpu.memory_space<vmem>>, %arg2: memref<16x128xf32, #tpu.memory_space<vmem>>, %arg3: memref<1024x128xf32, #tpu.memory_space<vmem>>, %arg4: memref<1024x128xf32, #tpu.memory_space<vmem>>, %arg5: memref<128x16xf32, #tpu.memory_space<vmem>>, %arg6: memref<128x128xf32, #tpu.memory_space<vmem>>, %arg7: memref<1250x128xf32, #tpu.memory_space<vmem>>, %arg8: memref<1250x128xf32, #tpu.memory_space<vmem>>) attributes {dimension_semantics = [], scalar_prefetch = 0 : i64, scratch_operands = 0 : i64, tpu.core_type = #tpu.core_type<tc>} {
    %get3A = arith.constant 0 : index
    %get3A_0 = arith.constant 0 : index
    %get3A_1 = vector.load %arg2[%get3A, %get3A_0] : memref<16x128xf32, #tpu.memory_space<vmem>>, vector<16x128xf32>
    %get3A_2 = arith.constant 0 : index
    %get3A_3 = arith.constant 0 : index
    %get3A_4 = vector.load %arg5[%get3A_2, %get3A_3] : memref<128x16xf32, #tpu.memory_space<vmem>>, vector<128x16xf32>
    %dot_general3A = arith.constant dense<0.000000e+00> : vector<16x16xf32>
    %dot_general3A_5 = tpu.matmul %get3A_1, %get3A_4, %dot_general3A {dimension_numbers = #tpu.dot_dimension_numbers<[1], [0], [0], [1], [0, 0, 1, 1], [], []>, precision = #tpu.contract_precision<fp32>, transpose_lhs_hint = false} : vector<16x128xf32>, vector<128x16xf32>, vector<16x16xf32> -> vector<16x16xf32>
    %concatenate3A = tpu.concatenate %dot_general3A_5, %dot_general3A_5, %dot_general3A_5, %dot_general3A_5, %dot_general3A_5, %dot_general3A_5, %dot_general3A_5, %dot_general3A_5 in 0 : vector<16x16xf32>, vector<16x16xf32>, vector<16x16xf32>, vector<16x16xf32>, vector<16x16xf32>, vector<16x16xf32>, vector<16x16xf32>, vector<16x16xf32> -> vector<128x16xf32>
    %concatenate3A_6 = tpu.concatenate %concatenate3A, %concatenate3A, %concatenate3A, %concatenate3A, %concatenate3A, %concatenate3A, %concatenate3A, %concatenate3A in 1 : vector<128x16xf32>, vector<128x16xf32>, vector<128x16xf32>, vector<128x16xf32>, vector<128x16xf32>, vector<128x16xf32>, vector<128x16xf32>, vector<128x16xf32> -> vector<128x128xf32>
    %get3A_7 = arith.constant 0 : index
    %get3A_8 = arith.constant 0 : index
    %get3A_9 = vector.load %arg6[%get3A_7, %get3A_8] : memref<128x128xf32, #tpu.memory_space<vmem>>, vector<128x128xf32>
    %mul3A = arith.mulf %concatenate3A_6, %get3A_9 : vector<128x128xf32>
    %get3A_10 = arith.constant 0 : index
    %get3A_11 = arith.constant 0 : index
    %get3A_12 = vector.load %arg0[%get3A_10, %get3A_11] : memref<1250x1024xf32, #tpu.memory_space<vmem>>, vector<1250x1024xf32>
    %get3A_13 = arith.constant 0 : index
    %get3A_14 = arith.constant 0 : index
    %get3A_15 = vector.load %arg3[%get3A_13, %get3A_14] : memref<1024x128xf32, #tpu.memory_space<vmem>>, vector<1024x128xf32>
    %dot_general3A_16 = arith.constant dense<0.000000e+00> : vector<1250x128xf32>
    %dot_general3A_17 = tpu.matmul %get3A_12, %get3A_15, %dot_general3A_16 {dimension_numbers = #tpu.dot_dimension_numbers<[1], [0], [0], [1], [0, 0, 1, 1], [], []>, precision = #tpu.contract_precision<fp32>, transpose_lhs_hint = false} : vector<1250x1024xf32>, vector<1024x128xf32>, vector<1250x128xf32> -> vector<1250x128xf32>
    %get3A_18 = arith.constant 0 : index
    %get3A_19 = arith.constant 0 : index
    %get3A_20 = vector.load %arg1[%get3A_18, %get3A_19] : memref<1250x128xf32, #tpu.memory_space<vmem>>, vector<1250x128xf32>
    %dot_general3A_21 = arith.constant dense<0.000000e+00> : vector<1250x128xf32>
    %dot_general3A_22 = tpu.matmul %get3A_20, %mul3A, %dot_general3A_21 {dimension_numbers = #tpu.dot_dimension_numbers<[1], [0], [0], [1], [0, 0, 1, 1], [], []>, precision = #tpu.contract_precision<fp32>, transpose_lhs_hint = false} : vector<1250x128xf32>, vector<128x128xf32>, vector<1250x128xf32> -> vector<1250x128xf32>
    %add3A = arith.addf %dot_general3A_17, %dot_general3A_22 : vector<1250x128xf32>
    %swap3A = arith.constant 0 : index
    %swap3A_23 = arith.constant 0 : index
    %swap3A_24 = vector.load %arg7[%swap3A, %swap3A_23] : memref<1250x128xf32, #tpu.memory_space<vmem>>, vector<1250x128xf32>
    tpu.vector_store %arg7[%swap3A, %swap3A_23], %add3A {strides = array<i32>} : memref<1250x128xf32, #tpu.memory_space<vmem>>, vector<1250x128xf32>,
    %get3A_25 = arith.constant 0 : index
    %get3A_26 = arith.constant 0 : index
    %get3A_27 = vector.load %arg0[%get3A_25, %get3A_26] : memref<1250x1024xf32, #tpu.memory_space<vmem>>, vector<1250x1024xf32>
    %get3A_28 = arith.constant 0 : index
    %get3A_29 = arith.constant 0 : index
    %get3A_30 = vector.load %arg4[%get3A_28, %get3A_29] : memref<1024x128xf32, #tpu.memory_space<vmem>>, vector<1024x128xf32>
    %dot_general3A_31 = arith.constant dense<0.000000e+00> : vector<1250x128xf32>
    %dot_general3A_32 = tpu.matmul %get3A_27, %get3A_30, %dot_general3A_31 {dimension_numbers = #tpu.dot_dimension_numbers<[1], [0], [0], [1], [0, 0, 1, 1], [], []>, precision = #tpu.contract_precision<fp32>, transpose_lhs_hint = false} : vector<1250x1024xf32>, vector<1024x128xf32>, vector<1250x128xf32> -> vector<1250x128xf32>
    %swap3A_33 = arith.constant 0 : index
    %swap3A_34 = arith.constant 0 : index
    %swap3A_35 = vector.load %arg8[%swap3A_33, %swap3A_34] : memref<1250x128xf32, #tpu.memory_space<vmem>>, vector<1250x128xf32>
    tpu.vector_store %arg8[%swap3A_33, %swap3A_34], %dot_general3A_32 {strides = array<i32>} : memref<1250x128xf32, #tpu.memory_space<vmem>>, vector<1250x128xf32>,
    return
  }
}

module attributes {stable_mosaic.version = 14 : i64} {
  func.func @_node_body(%arg0: i32, %arg1: memref<2000x128xf32, #tpu.memory_space<vmem>>, %arg2: memref<2x2000x16xf32, #tpu.memory_space<vmem>>, %arg3: memref<2000x16xf32, #tpu.memory_space<vmem>>, %arg4: memref<2000x2xf32, #tpu.memory_space<vmem>>, %arg5: memref<16x128xf32, #tpu.memory_space<vmem>>, %arg6: memref<128x128xf32, #tpu.memory_space<vmem>>, %arg7: memref<16x128xf32, #tpu.memory_space<vmem>>, %arg8: memref<128x128xf32, #tpu.memory_space<vmem>>, %arg9: memref<1x128xf32, #tpu.memory_space<vmem>>, %arg10: memref<128x128xf32, #tpu.memory_space<vmem>>, %arg11: memref<2x128xf32, #tpu.memory_space<vmem>>, %arg12: memref<128x128xf32, #tpu.memory_space<vmem>>, %arg13: memref<1x128xf32, #tpu.memory_space<vmem>>, %arg14: memref<2000x128xf32, #tpu.memory_space<vmem>>, %arg15: memref<16x128xf32, #tpu.memory_space<vmem>>, %arg16: memref<16x128xf32, #tpu.memory_space<vmem>>, %arg17: memref<16x128xf32, #tpu.memory_space<vmem>>, %arg18: memref<16x128xf32, #tpu.memory_space<vmem>>) attributes {dimension_semantics = [#tpu.dimension_semantics<arbitrary>], iteration_bounds = array<i64: 5>, scalar_prefetch = 0 : i64, scratch_operands = 3 : i64, tpu.core_type = #tpu.core_type<tc>, window_params = [{transform_indices = @transform_0, window_bounds = array<i64: 2000, 128>}, {transform_indices = @transform_1, window_bounds = array<i64: 2, 2000, 16>}, {transform_indices = @transform_2, window_bounds = array<i64: 2000, 16>}, {transform_indices = @transform_3, window_bounds = array<i64: 2000, 2>}, {pipeline_mode = #tpu.pipeline_mode<synchronous>, transform_indices = @transform_4, window_bounds = array<i64: 16, 128>}, {pipeline_mode = #tpu.pipeline_mode<synchronous>, transform_indices = @transform_5, window_bounds = array<i64: 128, 128>}, {pipeline_mode = #tpu.pipeline_mode<synchronous>, transform_indices = @transform_6, window_bounds = array<i64: 16, 128>}, {pipeline_mode = #tpu.pipeline_mode<synchronous>, transform_indices = @transform_7, window_bounds = array<i64: 128, 128>}, {pipeline_mode = #tpu.pipeline_mode<synchronous>, transform_indices = @transform_8, window_bounds = array<i64: 1, 128>}, {pipeline_mode = #tpu.pipeline_mode<synchronous>, transform_indices = @transform_9, window_bounds = array<i64: 128, 128>}, {pipeline_mode = #tpu.pipeline_mode<synchronous>, transform_indices = @transform_10, window_bounds = array<i64: 2, 128>}, {pipeline_mode = #tpu.pipeline_mode<synchronous>, transform_indices = @transform_11, window_bounds = array<i64: 128, 128>}, {pipeline_mode = #tpu.pipeline_mode<synchronous>, transform_indices = @transform_12, window_bounds = array<i64: 1, 128>}, {transform_indices = @transform_13, window_bounds = array<i64: 2000, 128>}, {pipeline_mode = #tpu.pipeline_mode<synchronous>, transform_indices = @transform_14, window_bounds = array<i64: 16, 128>}]} {
    %eq3A = arith.constant 0 : i32
    %eq3A_0 = arith.cmpi eq, %arg0, %eq3A : i32
    %convert_element_type3A = arith.extui %eq3A_0 : i1 to i32
    %cond3A = arith.constant 0 : i32
    %cond3A_1 = arith.cmpi ne, %convert_element_type3A, %cond3A : i32
    scf.if %cond3A_1 {
      %broadcast_in_dim3A_124 = arith.constant 0.000000e+00 : f32
      %broadcast_in_dim3A_125 = vector.broadcast %broadcast_in_dim3A_124 : f32 to vector<16x128xf32>
      %swap3A_126 = arith.constant 0 : index
      %swap3A_127 = arith.constant 0 : index
      %swap3A_128 = vector.load %arg16[%swap3A_126, %swap3A_127] : memref<16x128xf32, #tpu.memory_space<vmem>>, vector<16x128xf32>
      tpu.vector_store %arg16[%swap3A_126, %swap3A_127], %broadcast_in_dim3A_125 {strides = array<i32>} : memref<16x128xf32, #tpu.memory_space<vmem>>, vector<16x128xf32>,
      %broadcast_in_dim3A_129 = arith.constant 0.000000e+00 : f32
      %broadcast_in_dim3A_130 = vector.broadcast %broadcast_in_dim3A_129 : f32 to vector<16x128xf32>
      %swap3A_131 = arith.constant 0 : index
      %swap3A_132 = arith.constant 0 : index
      %swap3A_133 = vector.load %arg17[%swap3A_131, %swap3A_132] : memref<16x128xf32, #tpu.memory_space<vmem>>, vector<16x128xf32>
      tpu.vector_store %arg17[%swap3A_131, %swap3A_132], %broadcast_in_dim3A_130 {strides = array<i32>} : memref<16x128xf32, #tpu.memory_space<vmem>>, vector<16x128xf32>,
      %broadcast_in_dim3A_134 = arith.constant 0.000000e+00 : f32
      %broadcast_in_dim3A_135 = vector.broadcast %broadcast_in_dim3A_134 : f32 to vector<16x128xf32>
      %swap3A_136 = arith.constant 0 : index
      %swap3A_137 = arith.constant 0 : index
      %swap3A_138 = vector.load %arg18[%swap3A_136, %swap3A_137] : memref<16x128xf32, #tpu.memory_space<vmem>>, vector<16x128xf32>
      tpu.vector_store %arg18[%swap3A_136, %swap3A_137], %broadcast_in_dim3A_135 {strides = array<i32>} : memref<16x128xf32, #tpu.memory_space<vmem>>, vector<16x128xf32>,
    } else {
    }
    %get3A = arith.constant 0 : index
    %get3A_2 = arith.constant 0 : index
    %get3A_3 = vector.load %arg5[%get3A, %get3A_2] : memref<16x128xf32, #tpu.memory_space<vmem>>, vector<16x128xf32>
    %get3A_4 = arith.constant 0 : index
    %get3A_5 = arith.constant 0 : index
    %get3A_6 = vector.load %arg8[%get3A_4, %get3A_5] : memref<128x128xf32, #tpu.memory_space<vmem>>, vector<128x128xf32>
    %dot_general3A = arith.constant dense<0.000000e+00> : vector<16x128xf32>
    %dot_general3A_7 = tpu.matmul %get3A_3, %get3A_6, %dot_general3A {dimension_numbers = #tpu.dot_dimension_numbers<[1], [0], [0], [1], [0, 0, 1, 1], [], []>, precision = #tpu.contract_precision<fp32>, transpose_lhs_hint = false} : vector<16x128xf32>, vector<128x128xf32>, vector<16x128xf32> -> vector<16x128xf32>
    %get3A_8 = arith.constant 0 : index
    %get3A_9 = arith.constant 0 : index
    %get3A_10 = arith.constant 0 : index
    %get3A_11 = vector.load %arg2[%get3A_8, %get3A_9, %get3A_10] : memref<2x2000x16xf32, #tpu.memory_space<vmem>>, vector<1x2000x16xf32>
    %get3A_12 = vector.shape_cast %get3A_11 : vector<1x2000x16xf32> to vector<2000x16xf32>
    %get3A_13 = arith.constant 1 : index
    %get3A_14 = arith.constant 0 : index
    %get3A_15 = arith.constant 0 : index
    %get3A_16 = vector.load %arg2[%get3A_13, %get3A_14, %get3A_15] : memref<2x2000x16xf32, #tpu.memory_space<vmem>>, vector<1x2000x16xf32>
    %get3A_17 = vector.shape_cast %get3A_16 : vector<1x2000x16xf32> to vector<2000x16xf32>
    %add3A = arith.addf %get3A_12, %get3A_17 : vector<2000x16xf32>
    %get3A_18 = arith.constant 0 : index
    %get3A_19 = arith.constant 0 : index
    %get3A_20 = vector.load %arg3[%get3A_18, %get3A_19] : memref<2000x16xf32, #tpu.memory_space<vmem>>, vector<2000x16xf32>
    %get3A_21 = arith.constant 0 : index
    %get3A_22 = arith.constant 0 : index
    %get3A_23 = vector.load %arg1[%get3A_21, %get3A_22] : memref<2000x128xf32, #tpu.memory_space<vmem>>, vector<2000x128xf32>
    %get3A_24 = arith.constant 0 : index
    %get3A_25 = arith.constant 0 : index
    %get3A_26 = vector.load %arg6[%get3A_24, %get3A_25] : memref<128x128xf32, #tpu.memory_space<vmem>>, vector<128x128xf32>
    %dot_general3A_27 = arith.constant dense<0.000000e+00> : vector<2000x128xf32>
    %dot_general3A_28 = tpu.matmul %get3A_23, %get3A_26, %dot_general3A_27 {dimension_numbers = #tpu.dot_dimension_numbers<[1], [0], [0], [1], [0, 0, 1, 1], [], []>, precision = #tpu.contract_precision<fp32>, transpose_lhs_hint = false} : vector<2000x128xf32>, vector<128x128xf32>, vector<2000x128xf32> -> vector<2000x128xf32>
    %get3A_29 = arith.constant 0 : index
    %get3A_30 = arith.constant 0 : index
    %get3A_31 = vector.load %arg7[%get3A_29, %get3A_30] : memref<16x128xf32, #tpu.memory_space<vmem>>, vector<16x128xf32>
    %dot_general3A_32 = arith.constant dense<0.000000e+00> : vector<2000x128xf32>
    %dot_general3A_33 = tpu.matmul %add3A, %get3A_31, %dot_general3A_32 {dimension_numbers = #tpu.dot_dimension_numbers<[1], [0], [0], [1], [0, 0, 1, 1], [], []>, precision = #tpu.contract_precision<fp32>, transpose_lhs_hint = false} : vector<2000x16xf32>, vector<16x128xf32>, vector<2000x128xf32> -> vector<2000x128xf32>
    %add3A_34 = arith.addf %dot_general3A_28, %dot_general3A_33 : vector<2000x128xf32>
    %dot_general3A_35 = arith.constant dense<0.000000e+00> : vector<2000x128xf32>
    %dot_general3A_36 = tpu.matmul %get3A_20, %dot_general3A_7, %dot_general3A_35 {dimension_numbers = #tpu.dot_dimension_numbers<[1], [0], [0], [1], [0, 0, 1, 1], [], []>, precision = #tpu.contract_precision<fp32>, transpose_lhs_hint = false} : vector<2000x16xf32>, vector<16x128xf32>, vector<2000x128xf32> -> vector<2000x128xf32>
    %add3A_37 = arith.addf %add3A_34, %dot_general3A_36 : vector<2000x128xf32>
    %get3A_38 = arith.constant 0 : index
    %get3A_39 = arith.constant 0 : index
    %get3A_40 = vector.load %arg9[%get3A_38, %get3A_39] : memref<1x128xf32, #tpu.memory_space<vmem>>, vector<1x128xf32>
    %add3A_41 = vector.broadcast %get3A_40 : vector<1x128xf32> to vector<2000x128xf32>
    %add3A_42 = arith.addf %add3A_37, %add3A_41 : vector<2000x128xf32>
    %max3A = arith.constant 0.000000e+00 : f32
    %max3A_43 = vector.broadcast %max3A : f32 to vector<2000x128xf32>
    %max3A_44 = arith.maximumf %add3A_42, %max3A_43 : vector<2000x128xf32>
    %swap3A = arith.constant 0 : index
    %swap3A_45 = arith.constant 0 : index
    %swap3A_46 = vector.load %arg14[%swap3A, %swap3A_45] : memref<2000x128xf32, #tpu.memory_space<vmem>>, vector<2000x128xf32>
    tpu.vector_store %arg14[%swap3A, %swap3A_45], %max3A_44 {strides = array<i32>} : memref<2000x128xf32, #tpu.memory_space<vmem>>, vector<2000x128xf32>,
    %get3A_47 = arith.constant 0 : index
    %get3A_48 = arith.constant 0 : index
    %get3A_49 = vector.load %arg16[%get3A_47, %get3A_48] : memref<16x128xf32, #tpu.memory_space<vmem>>, vector<16x128xf32>
    %dot_general3A_50 = arith.constant dense<0.000000e+00> : vector<16x128xf32>
    %dot_general3A_51 = tpu.matmul %get3A_20, %max3A_44, %dot_general3A_50 {dimension_numbers = #tpu.dot_dimension_numbers<[0], [0], [1], [1], [0, 1, 1, 1], [], []>, precision = #tpu.contract_precision<fp32>, transpose_lhs_hint = false} : vector<2000x16xf32>, vector<2000x128xf32>, vector<16x128xf32> -> vector<16x128xf32>
    %add3A_52 = arith.addf %get3A_49, %dot_general3A_51 : vector<16x128xf32>
    %swap3A_53 = arith.constant 0 : index
    %swap3A_54 = arith.constant 0 : index
    %swap3A_55 = vector.load %arg16[%swap3A_53, %swap3A_54] : memref<16x128xf32, #tpu.memory_space<vmem>>, vector<16x128xf32>
    tpu.vector_store %arg16[%swap3A_53, %swap3A_54], %add3A_52 {strides = array<i32>} : memref<16x128xf32, #tpu.memory_space<vmem>>, vector<16x128xf32>,
    %get3A_56 = arith.constant 0 : index
    %get3A_57 = arith.constant 0 : index
    %get3A_58 = vector.load %arg17[%get3A_56, %get3A_57] : memref<16x128xf32, #tpu.memory_space<vmem>>, vector<16x2xf32>
    %get3A_59 = arith.constant 0 : index
    %get3A_60 = arith.constant 0 : index
    %get3A_61 = vector.load %arg4[%get3A_59, %get3A_60] : memref<2000x2xf32, #tpu.memory_space<vmem>>, vector<2000x2xf32>
    %dot_general3A_62 = arith.constant dense<0.000000e+00> : vector<16x2xf32>
    %dot_general3A_63 = tpu.matmul %get3A_20, %get3A_61, %dot_general3A_62 {dimension_numbers = #tpu.dot_dimension_numbers<[0], [0], [1], [1], [0, 1, 1, 1], [], []>, precision = #tpu.contract_precision<fp32>, transpose_lhs_hint = false} : vector<2000x16xf32>, vector<2000x2xf32>, vector<16x2xf32> -> vector<16x2xf32>
    %add3A_64 = arith.addf %get3A_58, %dot_general3A_63 : vector<16x2xf32>
    %swap3A_65 = arith.constant 0 : index
    %swap3A_66 = arith.constant 0 : index
    %swap3A_67 = vector.load %arg17[%swap3A_65, %swap3A_66] : memref<16x128xf32, #tpu.memory_space<vmem>>, vector<16x2xf32>
    tpu.vector_store %arg17[%swap3A_65, %swap3A_66], %add3A_64 {strides = array<i32>} : memref<16x128xf32, #tpu.memory_space<vmem>>, vector<16x2xf32>,
    %get3A_68 = arith.constant 0 : index
    %get3A_69 = arith.constant 0 : index
    %get3A_70 = vector.load %arg18[%get3A_68, %get3A_69] : memref<16x128xf32, #tpu.memory_space<vmem>>, vector<16x1xf32>
    %broadcast_in_dim3A = arith.constant 1.000000e+00 : f32
    %broadcast_in_dim3A_71 = vector.broadcast %broadcast_in_dim3A : f32 to vector<2000x1xf32>
    %dot_general3A_72 = arith.constant dense<0.000000e+00> : vector<16x1xf32>
    %dot_general3A_73 = tpu.matmul %get3A_20, %broadcast_in_dim3A_71, %dot_general3A_72 {dimension_numbers = #tpu.dot_dimension_numbers<[0], [0], [1], [1], [0, 1, 1, 1], [], []>, precision = #tpu.contract_precision<fp32>, transpose_lhs_hint = false} : vector<2000x16xf32>, vector<2000x1xf32>, vector<16x1xf32> -> vector<16x1xf32>
    %add3A_74 = arith.addf %get3A_70, %dot_general3A_73 : vector<16x1xf32>
    %swap3A_75 = arith.constant 0 : index
    %swap3A_76 = arith.constant 0 : index
    %swap3A_77 = vector.load %arg18[%swap3A_75, %swap3A_76] : memref<16x128xf32, #tpu.memory_space<vmem>>, vector<16x1xf32>
    tpu.vector_store %arg18[%swap3A_75, %swap3A_76], %add3A_74 {strides = array<i32>} : memref<16x128xf32, #tpu.memory_space<vmem>>, vector<16x1xf32>,
    %get3A_78 = arith.constant 0 : index
    %get3A_79 = arith.constant 0 : index
    %get3A_80 = vector.load %arg18[%get3A_78, %get3A_79] : memref<16x128xf32, #tpu.memory_space<vmem>>, vector<16x1xf32>
    %max3A_81 = arith.constant 1.000000e+00 : f32
    %max3A_82 = vector.broadcast %max3A_81 : f32 to vector<16x1xf32>
    %max3A_83 = arith.maximumf %get3A_80, %max3A_82 : vector<16x1xf32>
    %get3A_84 = arith.constant 0 : index
    %get3A_85 = arith.constant 0 : index
    %get3A_86 = vector.load %arg16[%get3A_84, %get3A_85] : memref<16x128xf32, #tpu.memory_space<vmem>>, vector<16x128xf32>
    %div3A = vector.broadcast %max3A_83 : vector<16x1xf32> to vector<16x128xf32>
    %div3A_87 = arith.divf %get3A_86, %div3A : vector<16x128xf32>
    %get3A_88 = arith.constant 0 : index
    %get3A_89 = arith.constant 0 : index
    %get3A_90 = vector.load %arg17[%get3A_88, %get3A_89] : memref<16x128xf32, #tpu.memory_space<vmem>>, vector<16x2xf32>
    %div3A_91 = vector.broadcast %max3A_83 : vector<16x1xf32> to vector<16x2xf32>
    %div3A_92 = arith.divf %get3A_90, %div3A_91 : vector<16x2xf32>
    %get3A_93 = arith.constant 0 : index
    %get3A_94 = arith.constant 0 : index
    %get3A_95 = vector.load %arg10[%get3A_93, %get3A_94] : memref<128x128xf32, #tpu.memory_space<vmem>>, vector<128x128xf32>
    %dot_general3A_96 = arith.constant dense<0.000000e+00> : vector<16x128xf32>
    %dot_general3A_97 = tpu.matmul %div3A_87, %get3A_95, %dot_general3A_96 {dimension_numbers = #tpu.dot_dimension_numbers<[1], [0], [0], [1], [0, 0, 1, 1], [], []>, precision = #tpu.contract_precision<fp32>, transpose_lhs_hint = false} : vector<16x128xf32>, vector<128x128xf32>, vector<16x128xf32> -> vector<16x128xf32>
    %get3A_98 = arith.constant 0 : index
    %get3A_99 = arith.constant 0 : index
    %get3A_100 = vector.load %arg11[%get3A_98, %get3A_99] : memref<2x128xf32, #tpu.memory_space<vmem>>, vector<2x128xf32>
    %dot_general3A_101 = arith.constant dense<0.000000e+00> : vector<16x128xf32>
    %dot_general3A_102 = tpu.matmul %div3A_92, %get3A_100, %dot_general3A_101 {dimension_numbers = #tpu.dot_dimension_numbers<[1], [0], [0], [1], [0, 0, 1, 1], [], []>, precision = #tpu.contract_precision<fp32>, transpose_lhs_hint = false} : vector<16x2xf32>, vector<2x128xf32>, vector<16x128xf32> -> vector<16x128xf32>
    %add3A_103 = arith.addf %dot_general3A_97, %dot_general3A_102 : vector<16x128xf32>
    %get3A_104 = arith.constant 0 : index
    %get3A_105 = arith.constant 0 : index
    %get3A_106 = vector.load %arg5[%get3A_104, %get3A_105] : memref<16x128xf32, #tpu.memory_space<vmem>>, vector<16x128xf32>
    %get3A_107 = arith.constant 0 : index
    %get3A_108 = arith.constant 0 : index
    %get3A_109 = vector.load %arg12[%get3A_107, %get3A_108] : memref<128x128xf32, #tpu.memory_space<vmem>>, vector<128x128xf32>
    %dot_general3A_110 = arith.constant dense<0.000000e+00> : vector<16x128xf32>
    %dot_general3A_111 = tpu.matmul %get3A_106, %get3A_109, %dot_general3A_110 {dimension_numbers = #tpu.dot_dimension_numbers<[1], [0], [0], [1], [0, 0, 1, 1], [], []>, precision = #tpu.contract_precision<fp32>, transpose_lhs_hint = false} : vector<16x128xf32>, vector<128x128xf32>, vector<16x128xf32> -> vector<16x128xf32>
    %add3A_112 = arith.addf %add3A_103, %dot_general3A_111 : vector<16x128xf32>
    %get3A_113 = arith.constant 0 : index
    %get3A_114 = arith.constant 0 : index
    %get3A_115 = vector.load %arg13[%get3A_113, %get3A_114] : memref<1x128xf32, #tpu.memory_space<vmem>>, vector<1x128xf32>
    %add3A_116 = vector.broadcast %get3A_115 : vector<1x128xf32> to vector<16x128xf32>
    %add3A_117 = arith.addf %add3A_112, %add3A_116 : vector<16x128xf32>
    %max3A_118 = arith.constant 0.000000e+00 : f32
    %max3A_119 = vector.broadcast %max3A_118 : f32 to vector<16x128xf32>
    %max3A_120 = arith.maximumf %add3A_117, %max3A_119 : vector<16x128xf32>
    %swap3A_121 = arith.constant 0 : index
    %swap3A_122 = arith.constant 0 : index
    %swap3A_123 = vector.load %arg15[%swap3A_121, %swap3A_122] : memref<16x128xf32, #tpu.memory_space<vmem>>, vector<16x128xf32>
    tpu.vector_store %arg15[%swap3A_121, %swap3A_122], %max3A_120 {strides = array<i32>} : memref<16x128xf32, #tpu.memory_space<vmem>>, vector<16x128xf32>,
    return
  }
  func.func @transform_0(%arg0: i32) -> (i32, i32) {
    %c0_i32 = arith.constant 0 : i32
    %c0_i32_0 = arith.constant 0 : i32
    return %arg0, %c0_i32 : i32, i32
  }
  func.func @transform_1(%arg0: i32) -> (i32, i32, i32) {
    %c0_i32 = arith.constant 0 : i32
    %c0_i32_0 = arith.constant 0 : i32
    %c0_i32_1 = arith.constant 0 : i32
    return %c0_i32, %arg0, %c0_i32_0 : i32, i32, i32
  }
  func.func @transform_2(%arg0: i32) -> (i32, i32) {
    %c0_i32 = arith.constant 0 : i32
    %c0_i32_0 = arith.constant 0 : i32
    return %arg0, %c0_i32 : i32, i32
  }
  func.func @transform_3(%arg0: i32) -> (i32, i32) {
    %c0_i32 = arith.constant 0 : i32
    %c0_i32_0 = arith.constant 0 : i32
    return %arg0, %c0_i32 : i32, i32
  }
  func.func @transform_4(%arg0: i32) -> (i32, i32) {
    %c0_i32 = arith.constant 0 : i32
    %c0_i32_0 = arith.constant 0 : i32
    %c0_i32_1 = arith.constant 0 : i32
    return %c0_i32, %c0_i32_0 : i32, i32
  }
  func.func @transform_5(%arg0: i32) -> (i32, i32) {
    %c0_i32 = arith.constant 0 : i32
    %c0_i32_0 = arith.constant 0 : i32
    %c0_i32_1 = arith.constant 0 : i32
    return %c0_i32, %c0_i32_0 : i32, i32
  }
  func.func @transform_6(%arg0: i32) -> (i32, i32) {
    %c0_i32 = arith.constant 0 : i32
    %c0_i32_0 = arith.constant 0 : i32
    %c0_i32_1 = arith.constant 0 : i32
    return %c0_i32, %c0_i32_0 : i32, i32
  }
  func.func @transform_7(%arg0: i32) -> (i32, i32) {
    %c0_i32 = arith.constant 0 : i32
    %c0_i32_0 = arith.constant 0 : i32
    %c0_i32_1 = arith.constant 0 : i32
    return %c0_i32, %c0_i32_0 : i32, i32
  }
  func.func @transform_8(%arg0: i32) -> (i32, i32) {
    %c0_i32 = arith.constant 0 : i32
    %c0_i32_0 = arith.constant 0 : i32
    %c0_i32_1 = arith.constant 0 : i32
    return %c0_i32, %c0_i32_0 : i32, i32
  }
  func.func @transform_9(%arg0: i32) -> (i32, i32) {
    %c0_i32 = arith.constant 0 : i32
    %c0_i32_0 = arith.constant 0 : i32
    %c0_i32_1 = arith.constant 0 : i32
    return %c0_i32, %c0_i32_0 : i32, i32
  }
  func.func @transform_10(%arg0: i32) -> (i32, i32) {
    %c0_i32 = arith.constant 0 : i32
    %c0_i32_0 = arith.constant 0 : i32
    %c0_i32_1 = arith.constant 0 : i32
    return %c0_i32, %c0_i32_0 : i32, i32
  }
  func.func @transform_11(%arg0: i32) -> (i32, i32) {
    %c0_i32 = arith.constant 0 : i32
    %c0_i32_0 = arith.constant 0 : i32
    %c0_i32_1 = arith.constant 0 : i32
    return %c0_i32, %c0_i32_0 : i32, i32
  }
  func.func @transform_12(%arg0: i32) -> (i32, i32) {
    %c0_i32 = arith.constant 0 : i32
    %c0_i32_0 = arith.constant 0 : i32
    %c0_i32_1 = arith.constant 0 : i32
    return %c0_i32, %c0_i32_0 : i32, i32
  }
  func.func @transform_13(%arg0: i32) -> (i32, i32) {
    %c0_i32 = arith.constant 0 : i32
    %c0_i32_0 = arith.constant 0 : i32
    return %arg0, %c0_i32 : i32, i32
  }
  func.func @transform_14(%arg0: i32) -> (i32, i32) {
    %c0_i32 = arith.constant 0 : i32
    %c0_i32_0 = arith.constant 0 : i32
    %c0_i32_1 = arith.constant 0 : i32
    return %c0_i32, %c0_i32_0 : i32, i32
  }
}

</mosaic_0001>

<sc_bundles>
// kernel: kernel.6.cloned.1.call-start
scs
__scs_entry_jumppad:
0x0: {  	(pc) =	sbr.rel $0x88, $3  }
0x1: {  	(tag) =	ssettag $0x0;
	lr =	simm.s32 $0x1  }
0x2: {  	[smem:$0x3F95] =	sst lr;
	_ =	strace $0xD0000000  }
0x3: {  	_ = 	snop  }
0x4: {  	_ = 	snop  }
0x5: {  	_ = 	snop  }
0x6: {  	_ = 	snop  }
0x7: {  	_ = 	snop  }
__scs_overlays_trampoline_lowered:
0x8: {  	[smem:$0x3FA4] =	sst s0  }
0x9: {  	[smem:$0x3FA5] =	sst s1  }
0xa: {  	[smem:$0x3FA6] =	sst s2  }
0xb: {  	[smem:$0x3FA7] =	sst s3  }
0xc: {  	[smem:$0x3FA8] =	sst s4  }
0xd: {  	[smem:$0x3FA9] =	sst s5  }
0xe: {  	[smem:$0x3FAA] =	sst s6  }
0xf: {  	[smem:$0x3FAB] =	sst s7  }
0x10: {  	[smem:$0x3FAC] =	sst s8  }
0x11: {  	[smem:$0x3FAD] =	sst s9;
	s0 =	simm.s32 @!p0 $0x0  }
0x12: {  	s1 =	sld [smem:$0x3F93];
	s0 =	simm.s32 @p0 $0x1  }
0x13: {  	[smem:$0x3FAE] =	sst s0;
	s0 =	simm.s32 @!p1 $0x0  }
0x14: {  	s2 =	sld [smem:$0x3F92];
	s0 =	simm.s32 @p1 $0x1  }
0x15: {  	[smem:$0x3FAF] =	sst s0;
	s0 =	simm.s32 @!p2 $0x0  }
0x16: {  	s3 =	sld [smem:$0x3FDB];
	s0 =	simm.s32 @p2 $0x1  }
0x17: {  	s4 =	simm.s32 $0x1BF5;
	[smem:$0x3FB1] =	sst s0  }
0x18: {  	s0 =	sld [smem:$0x3F94];
	_ =	swait.ge [sflag:s4], $0x0  }
0x19: {  	s7 =	sld [smem:$0x3F95]  }
0x1a: {  	s8 =	sadd.s32 $0xFFFFE003, lr  }
0x1b: {  	s9 =	sadd.s32 $0xFFFFFEF7, lr;
	s5 =	simm.s32 $0xFFFFFFFF;
	p2 =	slt.u32 s8, $0xFFFFF086  }
0x1c: {  	p1 =	slt.u32 s9, $0xF7A;
	s5 =	simm.s32 @!p2 $0x0  }
0x1d: {  	s5 =	simm.s32 @p1 $0x1;
	p0 =	seq.s32 s7, s2  }
0x1e: {  	s7 =	smul.u32 @!p0 $0xF7A, s2;
	p2 =	seq.s32 @!p0 s5, $0x0  }
0x1f: {  	s9 =	smul.u32 $0xF7A, s1;
	s8 =	simm.s32 @!p0 $0x1BF5;
	p2 =	por !p2, p0  }
0x20: {  	[sflag:s8] =	ssyncset.s32 @!p0 $0xFFFFF086;
	s6 =	sadd.s32 @!p0 s3, s7;
	s7 =	simm.s32 @!p0 $0x108  }
0x21: {  	s3 =	sadd.s32 s3, s9;
	s6 =	sadd.s32 @!p0 $0x88, s6;
	s7 =	simm.s32 @p2 $0x1082  }
0x22: {  	[simem:s7], [sflag:s8] =	dma.local @!p0 [hbm:s6], $0xF7A  }
0x23: {  	s9 =	sor.u32 $0xD0000000, s2;
	s6 =	simm.s32 $0x108;
	_ =	swait.ge @!p0 [sflag:s8], $0x0  }
0x24: {  	s3 =	sadd.s32 $0x88, s3;
	s6 =	simm.s32 @!p1 $0x1082;
	[sflag:s4] =	ssyncset.s32 $0xFFFFF086  }
0x25: {  	[simem:s6], [sflag:s4] =	dma.local [hbm:s3], $0xF7A  }
0x26: {  	[smem:$0x3F95] =	sst s1;
	(tag) =	ssettag s2;
	_ =	strace s9  }
0x27: {  	s1 =	sld [smem:$0x3FA5]  }
0x28: {  	s2 =	sld [smem:$0x3FA6]  }
0x29: {  	s4 =	sld [smem:$0x3FA8]  }
0x2a: {  	p0 =	seq.s32 s5, $0x0;
	s5 =	sld [smem:$0x3FA9]  }
0x2b: {  	s6 =	sld [smem:$0x3FAA]  }
0x2c: {  	s7 =	sld [smem:$0x3FAB]  }
0x2d: {  	s3 =	simm.s32 $0x108;
	s8 =	sld [smem:$0x3FAC]  }
0x2e: {  	s3 =	simm.s32 @!p0 $0x1082;
	s9 =	sld [smem:$0x3FAD]  }
0x2f: {  	lr =	sadd.s32 s0, s3;
	s0 =	sld [smem:$0x3FA4]  }
0x30: {  	s3 =	sld [smem:$0x3FA7]  }
0x31: {  	[smem:$0x3FB0] =	sst s10  }
0x32: {  	s10 =	sld [smem:$0x3FAE];
	_ =	sdelay $0x3  }
0x33: {  	p0 =	seq.s32 s10, $0x1;
	s10 =	sld [smem:$0x3FB0];
	_ =	sdelay $0x3  }
0x34: {  	[smem:$0x3FB0] =	sst s10  }
0x35: {  	s10 =	sld [smem:$0x3FAF];
	_ =	sdelay $0x3  }
0x36: {  	p1 =	seq.s32 s10, $0x1;
	s10 =	sld [smem:$0x3FB0];
	_ =	sdelay $0x3  }
0x37: {  	[smem:$0x3FB0] =	sst s10  }
0x38: {  	s10 =	sld [smem:$0x3FB1]  }
0x39: {  	_ = 	snop;
	(pc) =	sbr.ind lr, $3  }
0x3a: {  	_ = 	snop  }
0x3b: {  	_ = 	snop  }
0x3c: {  	p2 =	seq.s32 s10, $0x1;
	s10 =	sld [smem:$0x3FB0]  }
0x3d: {  	_ =	shalt  }
0x3e: {  	_ =	shalt  }
0x3f: {  	_ =	shalt  }
0x40: {  	_ =	shalt  }
0x41: {  	_ =	shalt  }
0x42: {  	_ =	shalt  }
0x43: {  	_ =	shalt  }
0x44: {  	_ =	shalt  }
0x45: {  	_ =	shalt  }
0x46: {  	_ =	shalt  }
0x47: {  	_ =	shalt  }
0x48: {  	_ =	shalt  }
0x49: {  	_ =	shalt  }
0x4a: {  	_ =	shalt  }
0x4b: {  	_ =	shalt  }
0x4c: {  	_ =	shalt  }
0x4d: {  	_ =	shalt  }
0x4e: {  	_ =	shalt  }
0x4f: {  	_ =	shalt  }
0x50: {  	_ =	shalt  }
0x51: {  	_ =	shalt  }
0x52: {  	_ =	shalt  }
0x53: {  	_ =	shalt  }
0x54: {  	_ =	shalt  }
0x55: {  	_ =	shalt  }
0x56: {  	_ =	shalt  }
0x57: {  	_ =	shalt  }
0x58: {  	_ =	shalt  }
0x59: {  	_ =	shalt  }
0x5a: {  	_ =	shalt  }
0x5b: {  	_ =	shalt  }
0x5c: {  	_ =	shalt  }
0x5d: {  	_ =	shalt  }
0x5e: {  	_ =	shalt  }
0x5f: {  	_ =	shalt  }
0x60: {  	_ =	shalt  }
0x61: {  	_ =	shalt  }
0x62: {  	_ =	shalt  }
0x63: {  	_ =	shalt  }
0x64: {  	_ =	shalt  }
0x65: {  	_ =	shalt  }
0x66: {  	_ =	shalt  }
0x67: {  	_ =	shalt  }
0x68: {  	_ =	shalt  }
0x69: {  	_ =	shalt  }
0x6a: {  	_ =	shalt  }
0x6b: {  	_ =	shalt  }
0x6c: {  	_ =	shalt  }
0x6d: {  	_ =	shalt  }
0x6e: {  	_ =	shalt  }
0x6f: {  	_ =	shalt  }
0x70: {  	_ =	shalt  }
0x71: {  	_ =	shalt  }
0x72: {  	_ =	shalt  }
0x73: {  	_ =	shalt  }
0x74: {  	_ =	shalt  }
0x75: {  	_ =	shalt  }
0x76: {  	_ =	shalt  }
0x77: {  	_ =	shalt  }
0x78: {  	_ =	shalt  }
0x79: {  	_ =	shalt  }
0x7a: {  	_ =	shalt  }
0x7b: {  	_ =	shalt  }
0x7c: {  	_ =	shalt  }
0x7d: {  	_ =	shalt  }
0x7e: {  	_ =	shalt  }
0x7f: {  	_ =	shalt  }
0x80: {  	_ =	shalt  }
0x81: {  	_ =	shalt  }
0x82: {  	_ =	shalt  }
0x83: {  	_ =	shalt  }
0x84: {  	_ =	shalt  }
0x85: {  	_ =	shalt  }
0x86: {  	_ =	shalt  }
0x87: {  	_ =	shalt  }
.Lfunc_end0:
.L_simem_size_0:
called_computation_lowered:
.L_overlay_start_0:
0x88: {  	s2 =	sld [smem:$0x3FD9]  }
0x89: {  	s3 =	sld [smem:$0x3FFE];
	_ =	sdelay $0x1  }
0x8a: {  	s1 =	srdreg.scid  }
0x8b: {  	s0 =	sand.u32 $0x1, s1  }
0x8c: {  	s14 =	sshll.u32 s0, $0xA;
	s2 =	sadd.s32 s3, s2  }
0x8d: {  	s2 =	sadd.s32 s2, s14  }
0x8e: {  	[smem:$0x3FBC] =	sst s2  }
0x8f: {  	_ = 	snop  }
0x90: {  	s2 =	sld [smem:$0x3FD0];
	_ =	sdelay $0x2  }
0x91: {  	s15 =	simm.s32 $0xA;
	s4 =	simm.s32 $0x10  }
0x92: {  	[smem:s4], [sflag:s15] =	dma.local [hbm:s2], $0x1  }
0x93: {  	_ =	swait.eq [sflag:s15], $0x1  }
0x94: {  	[sflag:s15] =	ssyncset.done $0x0  }
0x95: {  	s16 =	sld [smem:$0x10];
	[sflag:s15] =	ssyncadd.s32 $0xFFFFFFFF  }
0x96: {  	s17 =	sld [smem:$0x11];
	(tm) =	ssettm $0x1  }
0x97: {  	s18 =	sld [smem:$0x3FFB];
	_ =	sdelay $0x3  }
0x98: {  	_ =	strace s18  }
0x99: {  	s4 =	sld [smem:$0x3FFC];
	_ =	sdelay $0x3  }
0x9a: {  	_ =	strace s4  }
0x9b: {  	s4 =	sld [smem:$0x3FFD];
	_ =	sdelay $0x3  }
0x9c: {  	_ =	strace s4  }
0x9d: {  	_ =	strace $0x8FFFFFFF  }
0x9e: {  	s19 =	sld [smem:$0x3FDB];
	_ =	sdelay $0x1  }
0x9f: {  	s5 =	simm.s32 $_scs_section_size  }
0xa0: {  	s6 =	simm.s32 $_size__tile_overlayer_lowered;
	s7 =	simm.s32 $_tile_overlayer_lowered  }
0xa1: {  	s22 =	simm.s32 $0x1BFF;
	s21 =	sshll.u32 s7, $0x1;
	s4 =	sadd.s32 s5, s19  }
0xa2: {  	s8 =	simm.s32 $0x0;
	s20 =	sshll.u32 s6, $0x1;
	s6 =	sadd.s32 s21, s4  }
0xa3: {  	[timem:s8], [sflag:s22] =	dma.local [hbm:s6], s20  }
0xa4: {  	_ =	swait.ge [sflag:s22], s20  }
0xa5: {  	s5 =	ssub.s32 $0x0, s20;
	[sflag:s22] =	ssyncset.done $0x0  }
0xa6: {  	[sflag:s22] =	ssyncadd.s32 s5;
	_ =	sdelay $0x1  }
0xa7: {  	s23 =	simm.s32 $0x1B8B  }
0xa8: {  	_ =	swait.ge [sflag:s23], $0x1  }
0xa9: {  	[sflag:s23] =	ssyncset.done $0x0  }
0xaa: {  	s25 =	simm.s32 $0x1B8E;
	s24 =	sld [smem:$0x3FFE];
	[sflag:s23] =	ssyncadd.s32 $0xFFFFFFFF  }
0xab: {  	s26 =	simm.s32 $execute0_lowered;
	[smem:$0x3FD2] =	sst s25  }
0xac: {  	s6 =	sshll.u32 s26, $0x1;
	_ =	strace $0x80000046;
	[dreg:$0x1] =	wrdreg $0xFFFFFFFF  }
0xad: {  	s28 =	simm.s32 $_size_execute0_lowered;
	s4 =	sadd.s32 s4, s6;
	[dreg:$0x0] =	wrdreg $0x0  }
0xae: {  	s6 =	sshll.u32 s28, $0x1;
	[dreg:$0x2] =	wrdreg s4  }
0xaf: {  	[dreg:$0x3] =	wrdreg s6  }
0xb0: {  	[dreg:$0x4] =	wrdreg $0xC0  }
0xb1: {  	_ =	task [dreg:s8], $0x5FFFF  }
0xb2: {  	[dreg:$0x1] =	wrdreg $0xFFFFFFFF  }
0xb3: {  	[dreg:$0x0] =	wrdreg $0x60  }
0xb4: {  	[dreg:$0x2] =	wrdreg s24  }
0xb5: {  	[dreg:$0x3] =	wrdreg s17  }
0xb6: {  	[dreg:$0x4] =	wrdreg s16  }
0xb7: {  	[dreg:$0x5] =	wrdreg $0x186A00  }
0xb8: {  	[dreg:$0x6] =	wrdreg $0x9  }
0xb9: {  	_ =	task.clear_ibuf [dreg:s8], $0x7FFFF;
	_ =	strace $0x90000046  }
0xba: {  	s29 =	simm.s32 $0x9;
	_ =	strace $0x80000048  }
0xbb: {  	_ =	swait.ge [sflag:s29], $0x1  }
0xbc: {  	[sflag:s29] =	ssyncadd.s32 $0xFFFFFFFF  }
0xbd: {  	_ =	strace $0x90000048  }
0xbe: {  	_ =	sfence  }
0xbf: {  	s30 =	sld [smem:$0x0];
	_ =	sdelay $0x2  }
0xc0: {  	s31 =	sshll.u32 s1, $0xD;
	s1 =	sshrl.u32 s1, $0x2  }
0xc1: {  	s3 =	sand.u32 $0x4000, s31;
	s1 =	sadd.s32 s1, s30  }
0xc2: {  	s0 =	sor.u32 s3, s0;
	s1 =	sshll.u32 s1, $0x11  }
0xc3: {  	s0 =	sor.u32 s1, s0  }
0xc4: {  	s0 =	sadd.s32 $0x8F2B, s0  }
0xc5: {  	[sflag:s0] =	ssyncadd.remote.s32 $0x1  }
0xc6: {  	_ =	sfence.sel $0xFFFF  }
0xc7: {  	[dreg:$0x0] =	wrdreg $0xFFFFFFFF;
	(pc) =	sbr.abs _section_cstart, $3  }
0xc8: {  	[dreg:$0x1] =	wrdreg $0xFFFFFFFF  }
0xc9: {  	_ =	task.clear_ibuf [dreg:s8], $0x2FFFF;
	_ =	strace $0x9FFFFFFF  }
0xca: {  	(tm) =	ssettm $0x7FFFFFFF  }
0xcb: {  	_ =	shalt  }
tec
execute0_lowered:
.L_overlay_start_1:
0x0: {  	(tag) =	ssettag $0x1  }
0x1: {  	s0 =	rddreg [dreg:$0x0]  }
0x2: {  	s1 =	rddreg [dreg:$0x1]  }
0x3: {  	s3 =	rddreg [dreg:$0x2]  }
0x4: {  	s2 =	rddreg [dreg:$0x3];
	s4 =	simm.s32 $0x0  }
0x5: {  	s16 =	stileid.u32;
	s9 =	srdreg.scid;
	s28 =	simm.s32 $0x84D0  }
0x6: {  	s29 =	simm.s32 $0x88B8;
	s30 =	simm.s32 $0x8CA0;
	s31 =	simm.s32 $0xCB20  }
0x7: {  	[smem:$0x7FF] =	sst s4;
	s5 =	sadd.s32 $0x1BC00, s0;
	s6 =	sadd.s32 $0x16C00, s0  }
0x8: {  	s11 =	smul.u32 $0x2800, s16;
	s7 =	sadd.s32 $0xCE00, s0;
	s8 =	sadd.s32 $0x3000, s0  }
0x9: {  	s12 =	sand.u32 $0x1, s9;
	s18 =	sshll.u32 s16, $0x1;
	s9 =	sadd.s32 $0x25C00, s0  }
0xa: {  	s21 =	sshll.u32 s16, $0x6;
	_ =	strace $0x80000047;
	s14 =	ssub.s32 $0x2, s12  }
0xb: {  	s19 =	sor.u32 s12, s18;
	s17 =	smul.u32 $0x28000, s12;
	s12 =	sor.u32 $0x1C03, s21  }
0xc: {  	s10 =	sshrl.u32 s11, $0x3;
	s20 =	sshrl.u32 s14, $0x1;
	s15 =	sadd.s32 s11, s2  }
0xd: {  	s13 =	sadd.s32 s10, s0;
	s10 =	smul.u32 $0x2710, s19;
	s11 =	sadd.s32 s11, s17  }
0xe: {  	s0 =	ssub.s32 s14, s20;
	s13 =	sadd.s32 $0x20C00, s13;
	s11 =	sshrl.u32 s11, $0x3  }
0xf: {  	s0 =	smax.u32 s0, $0x1;
	[dreg:$0x5] =	wrdreg s13;
	s22 =	sshrl.u32 s10, $0x3  }
0x10: {  	s14 =	sadd.s32 $0x3E8, s10;
	s18 =	sadd.s32 $0x7D0, s10;
	s19 =	sadd.s32 $0xBB8, s10  }
0x11: {  	s3 =	sadd.s32 s3, s11;
	[dreg:$0xb] =	wrdreg s0;
	s0 =	simm.s32 $0x1  }
0x12: {  	s11 =	simm.s32 $0x0;
	s23 =	sadd.s32 s7, s22;
	s24 =	sadd.s32 s8, s22  }
.Ltmp0:
0x13: {  	s25 =	sshrl.u32 s14, $0x3;
	[dreg:$0xa] =	wrdreg s3;
	(pc) =	sbr.rel .LBB2_1-.Ltmp0, $4  }
0x14: {  	s22 =	sshrl.u32 s15, $0x3;
	s3 =	simm.s32 $0x109A0;
	[dreg:$0x6] =	wrdreg s23  }
0x15: {  	[dreg:$0x7] =	wrdreg s24;
	s26 =	sadd.s32 s7, s25;
	s13 =	sadd.s32 s8, s25  }
0x16: {  	s23 =	simm.s32 $0x3;
	s24 =	simm.s32 $0x3E8;
	[dreg:$0x8] =	wrdreg s26  }
0x17: {  	s25 =	simm.s32 $0x14820;
	[dreg:$0x9] =	wrdreg s13;
	s26 =	simm.s32 $0x2  }
.LBB2_8:
0x18: {  	[bflag:$0x0] =	sbarrier.arrive $0xFFFF  }
0x19: {  	s13 =	rddreg [dreg:$0xa]  }
0x1a: {  	[hbm:s13], [sflag:s12] =	dma.local [spmem:s22], $0x500  }
0x1b: {  	_ =	swait.ge [sflag:s23], $0x500  }
0x1c: {  	s11 =	sadd.s32 $0x1, s11;
	s21 =	rddreg [dreg:$0xb]  }
0x1d: {  	p0 =	sne.s32 s11, s21  }
.Ltmp1:
0x1e: {  	_ = 	snop;
	(pc) =	sbr.rel @!p0 .LBB2_9-.Ltmp1, $3  }
0x1f: {  	_ =	sdelay $0x1  }
0x20: {  	[sflag:s23] =	ssyncset.done $0x0  }
0x21: {  	[sflag:s23] =	ssyncadd.s32 $0xFFFFFB00  }
.LBB2_1:
0x22: {  	s13 =	rddreg [dreg:$0x5]  }
0x23: {  	[spmem:s22], [sflag:s12] =	dma.local [hbm:s13], $0x500  }
0x24: {  	_ =	swait.ge [sflag:s23], $0x500  }
0x25: {  	[sflag:s23] =	ssyncset.done $0x0  }
0x26: {  	[sflag:s23] =	ssyncadd.s32 $0xFFFFFB00  }
0x27: {  	[bflag:$0x0] =	sbarrier.arrive $0xFFFF  }
0x28: {  	s21 =	rddreg [dreg:$0x6]  }
0x29: {  	[tilespmem:s4], [sflag:$0x3] =	stream.linear.gather [hbm4b:s21+s4], $0x3E8, $0x38;
	[tilespmem:$0x1AEA0] =	vst v63  }
0x2a: {  	_ =	swait.ge [sflag:s23], $0x3E8  }
0x2b: {  	[sflag:s23] =	ssyncset.done $0x0  }
0x2c: {  	s15 =	rddreg [dreg:$0x7];
	[sflag:s23] =	ssyncadd.s32 $0xFFFFFC18  }
0x2d: {  	[tilespmem:s24], [sflag:$0x3] =	stream.linear.gather [hbm4b:s15+s4], $0x3E8, $0x38;
	[tilespmem:$0x1AEA0] =	vst v63  }
0x2e: {  	_ =	swait.ge [sflag:s23], $0x3E8  }
0x2f: {  	[sflag:s23] =	ssyncset.done $0x0  }
0x30: {  	s16 =	simm.s32 $0x7D0;
	[sflag:s23] =	ssyncadd.s32 $0xFFFFFC18  }
0x31: {  	[tilespmem:s16], [sflag:$0x1] =	stream.indirect.gather [hbm4b:s5+s24], $0x10, s4, s24, $0xb8;
	[tilespmem:$0x1AEA0] =	vst v63  }
0x32: {  	s17 =	simm.s32 $0x4650  }
0x33: {  	[tilespmem:s17], [sflag:$0x1] =	stream.indirect.gather [hbm4b:s6+s24], $0x10, s24, s24, $0xb8;
	[tilespmem:$0x1AEA0] =	vst v63  }
0x34: {  	s20 =	rddreg [dreg:$0x8]  }
0x35: {  	[tilespmem:s28], [sflag:$0x3] =	stream.linear.gather [hbm4b:s20+s4], $0x3E8, $0x38;
	[tilespmem:$0x1AEA0] =	vst v63  }
0x36: {  	_ =	swait.ge [sflag:s23], $0x3E8  }
0x37: {  	[sflag:s23] =	ssyncset.done $0x0  }
0x38: {  	s21 =	rddreg [dreg:$0x9];
	[sflag:s23] =	ssyncadd.s32 $0xFFFFFC18  }
0x39: {  	[tilespmem:s29], [sflag:$0x3] =	stream.linear.gather [hbm4b:s21+s4], $0x3E8, $0x38;
	[tilespmem:$0x1AEA0] =	vst v63  }
0x3a: {  	_ =	swait.ge [sflag:s23], $0x3E8  }
0x3b: {  	[sflag:s23] =	ssyncset.done $0x0  }
0x3c: {  	[sflag:s23] =	ssyncadd.s32 $0xFFFFFC18  }
0x3d: {  	[tilespmem:s30], [sflag:$0x2] =	stream.indirect.gather [hbm4b:s5+s24], $0x10, s28, s24, $0xb8;
	[tilespmem:$0x1AEA0] =	vst v63  }
0x3e: {  	s13 =	simm.s32 $0x0  }
0x3f: {  	[tilespmem:s31], [sflag:$0x2] =	stream.indirect.gather [hbm4b:s6+s24], $0x10, s29, s24, $0xb8;
	[tilespmem:$0x1AEA0] =	vst v63  }
.LBB2_2:
0x40: {  	_ =	swait.ge [sflag:s0], $0x3E80  }
0x41: {  	s15 =	smul.u32 $0x7D0, s13;
	[sflag:s0] =	ssyncset.done $0x0  }
0x42: {  	[sflag:s0] =	ssyncadd.s32 $0xFFFFC180  }
0x43: {  	s16 =	sadd.s32 s10, s15;
	_ =	swait.ge [sflag:s0], $0x3E80  }
0x44: {  	s16 =	sshll.u32 s16, $0x1;
	[sflag:s0] =	ssyncset.done $0x0  }
0x45: {  	s20 =	simm.s32 $0x0;
	s17 =	sadd.s32 s1, s16;
	[sflag:s0] =	ssyncadd.s32 $0xFFFFC180  }
0x46: {  	[tilespmem:s3], [sflag:$0x3] =	stream.linear.gather [hbm4b:s17+s20], $0x3E80, $0x38;
	[tilespmem:$0x1AEA0] =	vst v63  }
0x47: {  	_ =	swait.ge [sflag:s23], $0x3E80  }
0x48: {  	[sflag:s23] =	ssyncset.done $0x0  }
0x49: {  	s17 =	simm.s32 $0x0;
	[sflag:s23] =	ssyncadd.s32 $0xFFFFC180  }
0x4a: {  	v0 =	vld [tilespmem:s17+$0x840]  }
0x4b: {  	v1 =	vld [tilespmem:s17+$0x46C0]  }
0x4c: {  	v2 =	vld [tilespmem:s17+$0x7D0]  }
0x4d: {  	v3 =	vld [tilespmem:s17+$0x10A10]  }
0x4e: {  	v4 =	vld [tilespmem:s17+$0x4650]  }
0x4f: {  	v5 =	vld [tilespmem:s17+$0x7E0]  }
0x50: {  	v6 =	vld [tilespmem:s17+$0x4660]  }
0x51: {  	v7 =	vld [tilespmem:s17+$0x4670]  }
0x52: {  	v9 =	vld [tilespmem:s17+$0x4680]  }
0x53: {  	v10 =	vld [tilespmem:s17+$0x810]  }
0x54: {  	v11 =	vld [tilespmem:s17+$0x820]  }
0x55: {  	v12 =	vld [tilespmem:s17+$0x46A0]  }
0x56: {  	v13 =	vld [tilespmem:s17+$0x830];
	v0 =	vadd.f32 v1, v0  }
0x57: {  	v14 =	vld [tilespmem:s17+$0x46B0]  }
0x58: {  	v15 =	vld [tilespmem:s17+$0x109A0];
	v0 =	vadd.f32 v3, v0  }
0x59: {  	v1 =	vld [tilespmem:s17+$0x7F0]  }
0x5a: {  	v3 =	vld [tilespmem:s17+$0x800];
	v0 =	vmax.f32 v0, $0.0e+00  }
0x5b: {  	[tilespmem:s17+$0x14890] =	vst v0;
	v0 =	vld [tilespmem:s17+$0x4690]  }
0x5c: {  	v16 =	vld [tilespmem:s17+$0x109B0]  }
0x5d: {  	v17 =	vld [tilespmem:s17+$0x109C0]  }
0x5e: {  	v8 =	vld [tilespmem:s17+$0x109D0];
	v2 =	vadd.f32 v4, v2;
	v18 =	vadd.f32 v6, v5  }
0x5f: {  	v19 =	vadd.f32 v7, v1;
	v7 =	vld [tilespmem:s17+$0x109E0];
	v4 =	vadd.f32 v9, v3  }
0x60: {  	v6 =	vld [tilespmem:s17+$0x109F0];
	v3 =	vadd.f32 v0, v10;
	v10 =	vadd.f32 v15, v2  }
0x61: {  	s20 =	simm.s32 $0x80;
	v5 =	vld [tilespmem:s17+$0x10A00];
	v9 =	vadd.f32 v16, v18;
	v2 =	vadd.f32 v12, v11  }
0x62: {  	s21 =	simm.s32 $0x400;
	v1 =	vld [tilespmem:s20+$0x840];
	v0 =	vadd.f32 v14, v13;
	v11 =	vmax.f32 v10, $0.0e+00;
	v10 =	vadd.f32 v17, v19  }
.LBB2_3:
0x63: {  	p0 =	sne.s32 s21, $0xF800;
	v12 =	vld [tilespmem:s20+$0x46C0];
	[tilespmem:s17+$0x14820] =	vst v11;
	v9 =	vmax.f32 v9, $0.0e+00;
	v4 =	vadd.f32 v8, v4  }
0x64: {  	v8 =	vld [tilespmem:s20+$0x7D0];
	[tilespmem:s17+$0x14830] =	vst v9;
	v9 =	vmax.f32 v10, $0.0e+00;
	v3 =	vadd.f32 v7, v3  }
0x65: {  	v7 =	vld [tilespmem:s20+$0x10A10];
	[tilespmem:s17+$0x14840] =	vst v9;
	v4 =	vmax.f32 v4, $0.0e+00;
	v2 =	vadd.f32 v6, v2  }
0x66: {  	v6 =	vld [tilespmem:s20+$0x4650];
	[tilespmem:s17+$0x14850] =	vst v4;
	v3 =	vmax.f32 v3, $0.0e+00;
	v0 =	vadd.f32 v5, v0  }
0x67: {  	v4 =	vld [tilespmem:s20+$0x7E0];
	[tilespmem:s17+$0x14860] =	vst v3;
	v2 =	vmax.f32 v2, $0.0e+00  }
0x68: {  	v3 =	vld [tilespmem:s20+$0x4660];
	v1 =	vadd.f32 v12, v1;
	[tilespmem:s17+$0x14870] =	vst v2;
	v0 =	vmax.f32 v0, $0.0e+00  }
0x69: {  	v2 =	vld [tilespmem:s20+$0x7F0];
	[tilespmem:s17+$0x14880] =	vst v0;
	s17 =	smov.u32 s20  }
0x6a: {  	v0 =	vld [tilespmem:s17+$0x4670];
	v1 =	vadd.f32 v7, v1  }
0x6b: {  	v5 =	vadd.f32 v6, v8;
	v6 =	vld [tilespmem:s17+$0x800]  }
0x6c: {  	v7 =	vld [tilespmem:s17+$0x4680];
	v1 =	vmax.f32 v1, $0.0e+00  }
0x6d: {  	v9 =	vadd.f32 v3, v4;
	v3 =	vld [tilespmem:s17+$0x810];
	[tilespmem:s17+$0x14890] =	vst v1  }
0x6e: {  	v1 =	vld [tilespmem:s17+$0x4690]  }
0x6f: {  	v10 =	vadd.f32 v0, v2;
	v0 =	vld [tilespmem:s17+$0x820]  }
0x70: {  	v2 =	vld [tilespmem:s17+$0x46A0]  }
0x71: {  	v4 =	vadd.f32 v7, v6;
	v6 =	vld [tilespmem:s17+$0x830]  }
0x72: {  	v11 =	vld [tilespmem:s17+$0x46B0]  }
0x73: {  	v12 =	vld [tilespmem:s17+$0x109A0];
	v3 =	vadd.f32 v1, v3  }
0x74: {  	v1 =	vld [tilespmem:s17+$0x109B0]  }
0x75: {  	v13 =	vld [tilespmem:s17+$0x109C0];
	v2 =	vadd.f32 v2, v0  }
.Ltmp2:
0x76: {  	v8 =	vld [tilespmem:s17+$0x109D0];
	(pc) =	sbr.rel @p0 .LBB2_3-.Ltmp2, $4  }
0x77: {  	v7 =	vld [tilespmem:s17+$0x109E0];
	v0 =	vadd.f32 v11, v6  }
0x78: {  	v11 =	vadd.f32 v12, v5;
	v6 =	vld [tilespmem:s17+$0x109F0]  }
0x79: {  	s20 =	sshra.s32 s21, $0x2;
	v9 =	vadd.f32 v1, v9;
	v5 =	vld [tilespmem:s17+$0x10A00]  }
0x7a: {  	s21 =	sadd.s32 $0x200, s21;
	v1 =	vld [tilespmem:s20+$0x840];
	v11 =	vmax.f32 v11, $0.0e+00;
	v10 =	vadd.f32 v13, v10  }
0x7b: {  	v12 =	vld [tilespmem:s20+$0x46C0];
	[tilespmem:s17+$0x14820] =	vst v11;
	v9 =	vmax.f32 v9, $0.0e+00;
	v4 =	vadd.f32 v8, v4  }
0x7c: {  	v11 =	vld [tilespmem:s20+$0x7D0];
	[tilespmem:s17+$0x14830] =	vst v9;
	v8 =	vmax.f32 v10, $0.0e+00;
	v3 =	vadd.f32 v7, v3  }
0x7d: {  	v9 =	vld [tilespmem:s20+$0x10A10];
	[tilespmem:s17+$0x14840] =	vst v8;
	v4 =	vmax.f32 v4, $0.0e+00;
	v2 =	vadd.f32 v6, v2  }
0x7e: {  	v7 =	vld [tilespmem:s20+$0x4650];
	[tilespmem:s17+$0x14850] =	vst v4;
	v3 =	vmax.f32 v3, $0.0e+00;
	v0 =	vadd.f32 v5, v0  }
0x7f: {  	v4 =	vld [tilespmem:s20+$0x7E0];
	[tilespmem:s17+$0x14860] =	vst v3;
	v2 =	vmax.f32 v2, $0.0e+00  }
0x80: {  	v3 =	vld [tilespmem:s20+$0x4660];
	[tilespmem:s17+$0x14870] =	vst v2;
	v0 =	vmax.f32 v0, $0.0e+00  }
0x81: {  	v2 =	vld [tilespmem:s20+$0x7F0];
	[tilespmem:s17+$0x14880] =	vst v0  }
0x82: {  	v0 =	vld [tilespmem:s20+$0x4670]  }
0x83: {  	v5 =	vld [tilespmem:s20+$0x800]  }
0x84: {  	v1 =	vadd.f32 v12, v1;
	v6 =	vld [tilespmem:s20+$0x4680]  }
0x85: {  	v8 =	vld [tilespmem:s20+$0x810]  }
0x86: {  	v1 =	vadd.f32 v9, v1;
	v9 =	vld [tilespmem:s20+$0x820]  }
0x87: {  	v10 =	vld [tilespmem:s20+$0x46A0]  }
0x88: {  	v58 =	vld [tilespmem:s20+$0x830]  }
0x89: {  	v13 =	vld [tilespmem:s20+$0x46B0]  }
0x8a: {  	v14 =	vld [tilespmem:s20+$0x109A0]  }
0x8b: {  	v15 =	vld [tilespmem:s20+$0x109B0]  }
0x8c: {  	v16 =	vld [tilespmem:s20+$0x109C0];
	v1 =	vmax.f32 v1, $0.0e+00  }
0x8d: {  	[tilespmem:s20+$0x14890] =	vst v1;
	v1 =	vld [tilespmem:s20+$0x4690]  }
0x8e: {  	v7 =	vadd.f32 v7, v11;
	v11 =	vld [tilespmem:s20+$0x109D0]  }
0x8f: {  	v3 =	vadd.f32 v3, v4;
	v4 =	vld [tilespmem:s20+$0x109E0]  }
0x90: {  	v0 =	vadd.f32 v0, v2;
	v2 =	vadd.f32 v14, v7;
	v7 =	vld [tilespmem:s20+$0x109F0]  }
0x91: {  	v5 =	vadd.f32 v6, v5;
	v3 =	vadd.f32 v15, v3;
	v6 =	vld [tilespmem:s20+$0x10A00]  }
0x92: {  	v2 =	vmax.f32 v2, $0.0e+00;
	v0 =	vadd.f32 v16, v0;
	v1 =	vadd.f32 v1, v8  }
0x93: {  	v8 =	vadd.f32 v10, v9;
	[tilespmem:s20+$0x14820] =	vst v2;
	v2 =	vmax.f32 v3, $0.0e+00;
	v3 =	vadd.f32 v11, v5  }
0x94: {  	v5 =	vadd.f32 v13, v58;
	[tilespmem:s20+$0x14830] =	vst v2;
	v0 =	vmax.f32 v0, $0.0e+00;
	v1 =	vadd.f32 v4, v1  }
0x95: {  	[tilespmem:s20+$0x14840] =	vst v0;
	v0 =	vmax.f32 v3, $0.0e+00;
	v2 =	vadd.f32 v7, v8  }
0x96: {  	[tilespmem:s20+$0x14850] =	vst v0;
	v0 =	vmax.f32 v1, $0.0e+00;
	v1 =	vadd.f32 v6, v5  }
0x97: {  	[tilespmem:s20+$0x14860] =	vst v0;
	v0 =	vmax.f32 v2, $0.0e+00  }
0x98: {  	[tilespmem:s20+$0x14870] =	vst v0;
	v0 =	vmax.f32 v1, $0.0e+00  }
0x99: {  	s16 =	sadd.s32 s9, s16;
	[tilespmem:s20+$0x14880] =	vst v0  }
0x9a: {  	[hbm4b:s16+s4] =	stream.linear.scatter [tilespmem:s25], [sflag:$0x3], $0x3E80, $0x38;
	[tilespmem:$0x1AEA0] =	vst v63  }
0x9b: {  	_ =	swait.ge [sflag:s23], $0x3E80  }
0x9c: {  	[sflag:s23] =	ssyncset.done $0x0  }
0x9d: {  	p0 =	seq.s32 s13, $0x4;
	[sflag:s23] =	ssyncadd.s32 $0xFFFFC180  }
0x9e: {  	[spmem:s2] =	stream.indirect.scatter.add.f32 [tilespmem:s25], [sflag:$0x3], $0x10, s24, s24, $0xb8;
	[tilespmem:$0x1AEA0] =	vst v63  }
0x9f: {  	s16 =	sadd.s32 @!p0 s15, s18;
	_ =	swait.ge [sflag:s23], $0x3E80  }
0xa0: {  	s16 =	sshrl.u32 @!p0 s16, $0x3;
	[sflag:s23] =	ssyncset.done $0x0  }
0xa1: {  	s20 =	simm.s32 @!p0 $0x0;
	s17 =	sadd.s32 @!p0 s7, s16;
	[sflag:s23] =	ssyncadd.s32 $0xFFFFC180  }
0xa2: {  	[tilespmem:s20], [sflag:$0x3] =	stream.linear.gather @!p0 [hbm4b:s17+s20], $0x3E8, $0x38;
	[tilespmem:$0x1AEA0] =	vst v63  }
0xa3: {  	s17 =	simm.s32 @!p0 $0x3  }
0xa4: {  	_ =	swait.ge @!p0 [sflag:s17], $0x3E8  }
0xa5: {  	[sflag:s17] =	ssyncset.done @!p0 $0x0  }
0xa6: {  	s21 =	simm.s32 @!p0 $0x3E8;
	s16 =	sadd.s32 @!p0 s8, s16;
	[sflag:s17] =	ssyncadd.s32 @!p0 $0xFFFFFC18  }
0xa7: {  	[tilespmem:s21], [sflag:$0x3] =	stream.linear.gather @!p0 [hbm4b:s16+s20], $0x3E8, $0x38;
	[tilespmem:$0x1AEA0] =	vst v63  }
0xa8: {  	_ =	swait.ge @!p0 [sflag:s17], $0x3E8  }
0xa9: {  	[sflag:s17] =	ssyncset.done @!p0 $0x0  }
0xaa: {  	s16 =	simm.s32 @!p0 $0x7D0;
	[sflag:s17] =	ssyncadd.s32 @!p0 $0xFFFFFC18  }
0xab: {  	[tilespmem:s16], [sflag:$0x1] =	stream.indirect.gather @!p0 [hbm4b:s5+s21], $0x10, s20, s21, $0xb8;
	[tilespmem:$0x1AEA0] =	vst v63  }
0xac: {  	s16 =	simm.s32 @!p0 $0x4650  }
0xad: {  	[tilespmem:s16], [sflag:$0x1] =	stream.indirect.gather @!p0 [hbm4b:s6+s21], $0x10, s21, s21, $0xb8;
	[tilespmem:$0x1AEA0] =	vst v63  }
0xae: {  	_ =	swait.ge [sflag:s26], $0x3E80  }
0xaf: {  	[sflag:s26] =	ssyncset.done $0x0  }
0xb0: {  	s17 =	sadd.s32 s15, s14;
	[sflag:s26] =	ssyncadd.s32 $0xFFFFC180  }
0xb1: {  	s16 =	sshll.u32 s17, $0x1;
	_ =	swait.ge [sflag:s26], $0x3E80  }
0xb2: {  	s16 =	sand.u32 $0x1FFFFFF0, s16;
	[sflag:s26] =	ssyncset.done $0x0  }
0xb3: {  	s21 =	simm.s32 $0x0;
	s20 =	sadd.s32 s1, s16;
	[sflag:s26] =	ssyncadd.s32 $0xFFFFC180  }
0xb4: {  	[tilespmem:s3], [sflag:$0x3] =	stream.linear.gather [hbm4b:s20+s21], $0x3E80, $0x38;
	[tilespmem:$0x1AEA0] =	vst v63  }
0xb5: {  	_ =	swait.ge [sflag:s23], $0x3E80  }
0xb6: {  	[sflag:s23] =	ssyncset.done $0x0  }
0xb7: {  	s17 =	simm.s32 $0x0;
	[sflag:s23] =	ssyncadd.s32 $0xFFFFC180  }
0xb8: {  	v0 =	vld [tilespmem:s17+$0x8D10]  }
0xb9: {  	v1 =	vld [tilespmem:s17+$0xCB90]  }
0xba: {  	v2 =	vld [tilespmem:s17+$0x8CA0]  }
0xbb: {  	v3 =	vld [tilespmem:s17+$0x10A10]  }
0xbc: {  	v4 =	vld [tilespmem:s17+$0xCB20]  }
0xbd: {  	v5 =	vld [tilespmem:s17+$0x8CB0]  }
0xbe: {  	v6 =	vld [tilespmem:s17+$0xCB30]  }
0xbf: {  	v7 =	vld [tilespmem:s17+$0xCB40]  }
0xc0: {  	v9 =	vld [tilespmem:s17+$0xCB50]  }
0xc1: {  	v10 =	vld [tilespmem:s17+$0x8CE0]  }
0xc2: {  	v11 =	vld [tilespmem:s17+$0x8CF0]  }
0xc3: {  	v59 =	vld [tilespmem:s17+$0xCB70]  }
0xc4: {  	v60 =	vld [tilespmem:s17+$0x8D00];
	v0 =	vadd.f32 v1, v0  }
0xc5: {  	v61 =	vld [tilespmem:s17+$0xCB80]  }
0xc6: {  	v62 =	vld [tilespmem:s17+$0x109A0];
	v0 =	vadd.f32 v3, v0  }
0xc7: {  	v1 =	vld [tilespmem:s17+$0x8CC0]  }
0xc8: {  	v3 =	vld [tilespmem:s17+$0x8CD0];
	v0 =	vmax.f32 v0, $0.0e+00  }
0xc9: {  	[tilespmem:s17+$0x14890] =	vst v0;
	v0 =	vld [tilespmem:s17+$0xCB60]  }
0xca: {  	v63 =	vld [tilespmem:s17+$0x109B0]  }
0xcb: {  	v17 =	vld [tilespmem:s17+$0x109C0]  }
0xcc: {  	v8 =	vld [tilespmem:s17+$0x109D0];
	v2 =	vadd.f32 v4, v2;
	v18 =	vadd.f32 v6, v5  }
0xcd: {  	v19 =	vadd.f32 v7, v1;
	v7 =	vld [tilespmem:s17+$0x109E0];
	v4 =	vadd.f32 v9, v3  }
0xce: {  	v6 =	vld [tilespmem:s17+$0x109F0];
	v3 =	vadd.f32 v0, v10;
	v10 =	vadd.f32 v62, v2  }
0xcf: {  	s20 =	simm.s32 $0x80;
	v5 =	vld [tilespmem:s17+$0x10A00];
	v9 =	vadd.f32 v63, v18;
	v2 =	vadd.f32 v59, v11  }
0xd0: {  	s21 =	simm.s32 $0x400;
	v1 =	vld [tilespmem:s20+$0x8D10];
	v0 =	vadd.f32 v61, v60;
	v11 =	vmax.f32 v10, $0.0e+00;
	v10 =	vadd.f32 v17, v19  }
.LBB2_5:
0xd1: {  	p1 =	sne.s32 s21, $0xF800;
	v12 =	vld [tilespmem:s20+$0xCB90];
	[tilespmem:s17+$0x14820] =	vst v11;
	v9 =	vmax.f32 v9, $0.0e+00;
	v4 =	vadd.f32 v8, v4  }
0xd2: {  	v8 =	vld [tilespmem:s20+$0x8CA0];
	[tilespmem:s17+$0x14830] =	vst v9;
	v9 =	vmax.f32 v10, $0.0e+00;
	v3 =	vadd.f32 v7, v3  }
0xd3: {  	v7 =	vld [tilespmem:s20+$0x10A10];
	[tilespmem:s17+$0x14840] =	vst v9;
	v4 =	vmax.f32 v4, $0.0e+00;
	v2 =	vadd.f32 v6, v2  }
0xd4: {  	v6 =	vld [tilespmem:s20+$0xCB20];
	[tilespmem:s17+$0x14850] =	vst v4;
	v3 =	vmax.f32 v3, $0.0e+00;
	v0 =	vadd.f32 v5, v0  }
0xd5: {  	v4 =	vld [tilespmem:s20+$0x8CB0];
	[tilespmem:s17+$0x14860] =	vst v3;
	v2 =	vmax.f32 v2, $0.0e+00  }
0xd6: {  	v3 =	vld [tilespmem:s20+$0xCB30];
	v1 =	vadd.f32 v12, v1;
	[tilespmem:s17+$0x14870] =	vst v2;
	v0 =	vmax.f32 v0, $0.0e+00  }
0xd7: {  	v2 =	vld [tilespmem:s20+$0x8CC0];
	[tilespmem:s17+$0x14880] =	vst v0;
	s17 =	smov.u32 s20  }
0xd8: {  	v0 =	vld [tilespmem:s17+$0xCB40];
	v1 =	vadd.f32 v7, v1  }
0xd9: {  	v5 =	vadd.f32 v6, v8;
	v6 =	vld [tilespmem:s17+$0x8CD0]  }
0xda: {  	v7 =	vld [tilespmem:s17+$0xCB50];
	v1 =	vmax.f32 v1, $0.0e+00  }
0xdb: {  	v9 =	vadd.f32 v3, v4;
	v3 =	vld [tilespmem:s17+$0x8CE0];
	[tilespmem:s17+$0x14890] =	vst v1  }
0xdc: {  	v1 =	vld [tilespmem:s17+$0xCB60]  }
0xdd: {  	v10 =	vadd.f32 v0, v2;
	v0 =	vld [tilespmem:s17+$0x8CF0]  }
0xde: {  	v2 =	vld [tilespmem:s17+$0xCB70]  }
0xdf: {  	v4 =	vadd.f32 v7, v6;
	v6 =	vld [tilespmem:s17+$0x8D00]  }
0xe0: {  	v11 =	vld [tilespmem:s17+$0xCB80]  }
0xe1: {  	v12 =	vld [tilespmem:s17+$0x109A0];
	v3 =	vadd.f32 v1, v3  }
0xe2: {  	v1 =	vld [tilespmem:s17+$0x109B0]  }
0xe3: {  	v13 =	vld [tilespmem:s17+$0x109C0];
	v2 =	vadd.f32 v2, v0  }
.Ltmp3:
0xe4: {  	v8 =	vld [tilespmem:s17+$0x109D0];
	(pc) =	sbr.rel @p1 .LBB2_5-.Ltmp3, $4  }
0xe5: {  	v7 =	vld [tilespmem:s17+$0x109E0];
	v0 =	vadd.f32 v11, v6  }
0xe6: {  	v11 =	vadd.f32 v12, v5;
	v6 =	vld [tilespmem:s17+$0x109F0]  }
0xe7: {  	s20 =	sshra.s32 s21, $0x2;
	v9 =	vadd.f32 v1, v9;
	v5 =	vld [tilespmem:s17+$0x10A00]  }
0xe8: {  	s21 =	sadd.s32 $0x200, s21;
	v1 =	vld [tilespmem:s20+$0x8D10];
	v11 =	vmax.f32 v11, $0.0e+00;
	v10 =	vadd.f32 v13, v10  }
0xe9: {  	v12 =	vld [tilespmem:s20+$0xCB90];
	[tilespmem:s17+$0x14820] =	vst v11;
	v9 =	vmax.f32 v9, $0.0e+00;
	v4 =	vadd.f32 v8, v4  }
0xea: {  	v11 =	vld [tilespmem:s20+$0x8CA0];
	[tilespmem:s17+$0x14830] =	vst v9;
	v41 =	vmax.f32 v10, $0.0e+00;
	v3 =	vadd.f32 v7, v3  }
0xeb: {  	v9 =	vld [tilespmem:s20+$0x10A10];
	[tilespmem:s17+$0x14840] =	vst v41;
	v4 =	vmax.f32 v4, $0.0e+00;
	v2 =	vadd.f32 v6, v2  }
0xec: {  	v42 =	vld [tilespmem:s20+$0xCB20];
	[tilespmem:s17+$0x14850] =	vst v4;
	v3 =	vmax.f32 v3, $0.0e+00;
	v0 =	vadd.f32 v5, v0  }
0xed: {  	v4 =	vld [tilespmem:s20+$0x8CB0];
	[tilespmem:s17+$0x14860] =	vst v3;
	v2 =	vmax.f32 v2, $0.0e+00  }
0xee: {  	v3 =	vld [tilespmem:s20+$0xCB30];
	[tilespmem:s17+$0x14870] =	vst v2;
	v0 =	vmax.f32 v0, $0.0e+00  }
0xef: {  	v2 =	vld [tilespmem:s20+$0x8CC0];
	[tilespmem:s17+$0x14880] =	vst v0  }
0xf0: {  	v0 =	vld [tilespmem:s20+$0xCB40]  }
0xf1: {  	v43 =	vld [tilespmem:s20+$0x8CD0]  }
0xf2: {  	v44 =	vld [tilespmem:s20+$0xCB50]  }
0xf3: {  	v8 =	vld [tilespmem:s20+$0x8CE0]  }
0xf4: {  	v45 =	vld [tilespmem:s20+$0xCB60]  }
0xf5: {  	v46 =	vld [tilespmem:s20+$0x8CF0]  }
0xf6: {  	v47 =	vld [tilespmem:s20+$0xCB70]  }
0xf7: {  	v48 =	vld [tilespmem:s20+$0x8D00]  }
0xf8: {  	v13 =	vld [tilespmem:s20+$0xCB80]  }
0xf9: {  	v14 =	vld [tilespmem:s20+$0x109A0]  }
0xfa: {  	v15 =	vld [tilespmem:s20+$0x109B0]  }
0xfb: {  	v1 =	vadd.f32 v12, v1;
	v16 =	vld [tilespmem:s20+$0x109C0]  }
0xfc: {  	v49 =	vld [tilespmem:s20+$0x109D0];
	v7 =	vadd.f32 v42, v11  }
0xfd: {  	v1 =	vadd.f32 v9, v1;
	v50 =	vld [tilespmem:s20+$0x109E0];
	v3 =	vadd.f32 v3, v4  }
0xfe: {  	v52 =	vld [tilespmem:s20+$0x109F0];
	v0 =	vadd.f32 v0, v2;
	v51 =	vadd.f32 v14, v7  }
0xff: {  	v53 =	vld [tilespmem:s20+$0x10A00];
	v1 =	vmax.f32 v1, $0.0e+00;
	v5 =	vadd.f32 v44, v43;
	v3 =	vadd.f32 v15, v3  }
0x100: {  	[tilespmem:s20+$0x14890] =	vst v1;
	v1 =	vadd.f32 v45, v8;
	v0 =	vadd.f32 v16, v0;
	v2 =	vmax.f32 v51, $0.0e+00  }
0x101: {  	v54 =	vadd.f32 v47, v46;
	v55 =	vmax.f32 v3, $0.0e+00;
	v56 =	vadd.f32 v49, v5;
	[tilespmem:s20+$0x14820] =	vst v2  }
0x102: {  	v57 =	vadd.f32 v13, v48;
	v1 =	vadd.f32 v50, v1;
	[tilespmem:s20+$0x14830] =	vst v55;
	v0 =	vmax.f32 v0, $0.0e+00  }
0x103: {  	v59 =	vadd.f32 v52, v54;
	v58 =	vmax.f32 v56, $0.0e+00;
	[tilespmem:s20+$0x14840] =	vst v0  }
0x104: {  	v61 =	vadd.f32 v53, v57;
	v60 =	vmax.f32 v1, $0.0e+00;
	[tilespmem:s20+$0x14850] =	vst v58  }
0x105: {  	v62 =	vmax.f32 v59, $0.0e+00;
	[tilespmem:s20+$0x14860] =	vst v60  }
0x106: {  	v63 =	vmax.f32 v61, $0.0e+00;
	[tilespmem:s20+$0x14870] =	vst v62  }
0x107: {  	s16 =	sadd.s32 s9, s16;
	[tilespmem:s20+$0x14880] =	vst v63  }
0x108: {  	[hbm4b:s16+s4] =	stream.linear.scatter [tilespmem:s25], [sflag:$0x3], $0x3E80, $0x38;
	[tilespmem:$0x1AEA0] =	vst v63  }
0x109: {  	_ =	swait.ge [sflag:s23], $0x3E80  }
0x10a: {  	[sflag:s23] =	ssyncset.done $0x0  }
.Ltmp4:
0x10b: {  	[sflag:s23] =	ssyncadd.s32 $0xFFFFC180;
	(pc) =	sbr.rel @p0 .LBB2_8-.Ltmp4, $4  }
0x10c: {  	[spmem:s2] =	stream.indirect.scatter.add.f32 [tilespmem:s25], [sflag:$0x3], $0x10, s29, s24, $0xb8;
	[tilespmem:$0x1AEA0] =	vst v63  }
0x10d: {  	_ =	swait.ge [sflag:s23], $0x3E80  }
0x10e: {  	[sflag:s23] =	ssyncset.done $0x0  }
0x10f: {  	[sflag:s23] =	ssyncadd.s32 $0xFFFFC180  }
0x110: {  	s15 =	sadd.s32 s15, s19  }
0x111: {  	s15 =	sshrl.u32 s15, $0x3  }
0x112: {  	s16 =	sadd.s32 s7, s15  }
0x113: {  	[tilespmem:s28], [sflag:$0x3] =	stream.linear.gather [hbm4b:s16+s4], $0x3E8, $0x38;
	[tilespmem:$0x1AEA0] =	vst v63  }
0x114: {  	_ =	swait.ge [sflag:s23], $0x3E8  }
0x115: {  	[sflag:s23] =	ssyncset.done $0x0  }
0x116: {  	s15 =	sadd.s32 s8, s15;
	[sflag:s23] =	ssyncadd.s32 $0xFFFFFC18  }
0x117: {  	[tilespmem:s29], [sflag:$0x3] =	stream.linear.gather [hbm4b:s15+s4], $0x3E8, $0x38;
	[tilespmem:$0x1AEA0] =	vst v63  }
0x118: {  	_ =	swait.ge [sflag:s23], $0x3E8  }
.Ltmp5:
0x119: {  	[sflag:s23] =	ssyncset.done $0x0;
	(pc) =	sbr.rel .LBB2_2-.Ltmp5, $4  }
0x11a: {  	[sflag:s23] =	ssyncadd.s32 $0xFFFFFC18  }
0x11b: {  	[tilespmem:s30], [sflag:$0x2] =	stream.indirect.gather [hbm4b:s5+s24], $0x10, s28, s24, $0xb8;
	[tilespmem:$0x1AEA0] =	vst v63  }
0x11c: {  	s13 =	sadd.s32 $0x1, s13  }
0x11d: {  	[tilespmem:s31], [sflag:$0x2] =	stream.indirect.gather [hbm4b:s6+s24], $0x10, s29, s24, $0xb8;
	[tilespmem:$0x1AEA0] =	vst v63  }
.LBB2_9:
0x11e: {  	_ =	sfence.sel $0x180000  }
0x11f: {  	[bflag:$0x0] =	sbarrier.arrive $0xFFFF  }
0x120: {  	_ =	strace $0x90000047  }
0x121: {  	s0 =	stileid.u32;
	[bflag:$0x2] =	sbarrier.arrive $0xFFFF  }
0x122: {  	p0 =	sne.s32 s0, $0x0;
	s0 =	rddreg [dreg:$0x4]  }
0x123: {  	s0 =	sadd.s32 @!p0 $0x100000, s0  }
0x124: {  	[sflag:s0] =	ssyncadd.tile.s32 @!p0 $0x1;
	_ =	shalt  }
.Lfunc_end2:
_tile_overlayer_lowered:
.L_overlay_start_2:
0x125: {  	(tag) =	ssettag $0x2  }
0x126: {  	s0 =	rddreg [dreg:$0x0];
	s2 =	stileid.u32  }
0x127: {  	s1 =	rddreg [dreg:$0x1];
	p0 =	sne.s32 s2, $0x0  }
0x128: {  	s3 =	rddreg [dreg:$0x2];
	[bflag:$0x3] =	sbarrier.arrive $0xFFFF;
	s2 =	simm.s32 @!p0 $0x1C03  }
0x129: {  	[timem:s3], [sflag:s2] =	dma.local @!p0 [hbm:s0], s1  }
0x12a: {  	s0 =	simm.s32 @!p0 $0x3  }
0x12b: {  	_ =	swait.ge @!p0 [sflag:s0], s1  }
0x12c: {  	s1 =	ssub.s32 @!p0 $0x0, s1;
	[sflag:s0] =	ssyncset.done @!p0 $0x0  }
0x12d: {  	[sflag:s0] =	ssyncadd.s32 @!p0 s1  }
0x12e: {  	[bflag:$0x3] =	sbarrier.arrive $0xFFFF  }
0x12f: {  	_ =	shalt  }

</sc_bundles>
